<compile_context>
chip_gen: v7x
topology: tpu7x:2x2x1
jax: 0.10.2.dev20260603
libtpu: 0.0.44.dev20260713+nightly
codegen_flags: <defaults>
</compile_context>

<pallas_src>
import functools

import jax
import jax.numpy as jnp
from jax import lax
from jax.experimental import pallas as pl
from jax.experimental.pallas import tpu as pltpu
from jax.experimental.pallas import tpu_sc as plsc

N = 10000
E = 320000
G = 64
NC, NS = 2, 16
EPS = E // NS
HALF = N // NC
TRASH = HALF
ACC_ROWS = HALF + 8

ROW1, P1, CHUNK1 = 128, 96, 160
ROW2, P2, CHUNK2 = 256, 136, 80
HOFF = 16
ZROWS = 80
SUB_OFF = 312
SUB_ROWS = 320


def _leaky(t):
    return jnp.where(t > 0, t, 0.2 * t)


def _make_edge_pass(row_w, d_w, p_w, chunk, nmsg, ch, dcol, av_off):
    n_iter = EPS // chunk
    mesh = plsc.VectorSubcoreMesh(core_axis_name="c", subcore_axis_name="s")

    @functools.partial(
        pl.kernel,
        mesh=mesh,
        compiler_params=pltpu.CompilerParams(use_tc_tiling_on_sc=False),
        out_type=jax.ShapeDtypeStruct((N, p_w), jnp.float32),
        scratch_types=[
            pltpu.VMEM((chunk,), jnp.int32),
            pltpu.VMEM((chunk,), jnp.int32),
            pltpu.VMEM((chunk, row_w), jnp.float32),
            pltpu.VMEM((chunk, d_w), jnp.float32),
            pltpu.VMEM((chunk, 128), jnp.float32),
            pltpu.VMEM((chunk, p_w), jnp.float32),
            pltpu.VMEM((ZROWS, p_w), jnp.float32),
            pltpu.VMEM_SHARED((ACC_ROWS, p_w), jnp.float32),
            pltpu.SemaphoreType.DMA,
            pltpu.SemaphoreType.DMA,
        ],
    )
    def edge_pass(tsrc, adstt, aet, srcix, dstix, out,
                  sidx, didx, srows, drows, aebuf, payload, zbuf, acc,
                  sem, sem2):
        c = lax.axis_index("c")
        s = lax.axis_index("s")
        iota = lax.iota(jnp.int32, 16)
        zero = (iota * jnp.int32(0)).astype(jnp.float32)
        coff = c * jnp.int32(HALF)
        lohalf = iota < jnp.int32(8)
        one8 = jnp.where(iota == jnp.int32(8), 1.0, 0.0).astype(jnp.float32)

        def zrow(r, carry):
            for k in range(p_w // 16):
                zbuf[r, pl.ds(k * 16, 16)] = zero
            return carry

        lax.fori_loop(0, ZROWS, zrow, 0)

        def zcopy(i, carry):
            pltpu.sync_copy(zbuf, acc.at[pl.ds(s * SUB_OFF + i * ZROWS, ZROWS)])
            return carry

        lax.fori_loop(0, SUB_ROWS // ZROWS, zcopy, 0)
        plsc.subcore_barrier()

        def chunk_body(i, carry):
            base = s * EPS + i * chunk
            pltpu.sync_copy(srcix.at[pl.ds(base, chunk)], sidx)
            pltpu.sync_copy(dstix.at[pl.ds(base, chunk)], didx)
            cp1 = pltpu.async_copy(tsrc.at[sidx], srows, sem)
            cp2 = pltpu.async_copy(adstt.at[didx], drows, sem2)
            pltpu.sync_copy(aet.at[pl.ds(base, chunk)], aebuf)
            cp2.wait()
            cp1.wait()

            def fix_idx(v, fcarry):
                d = didx[pl.ds(v * 16, 16)] - coff
                bad = (d < 0) | (d >= HALF)
                didx[pl.ds(v * 16, 16)] = jnp.where(bad, jnp.int32(TRASH), d)
                return fcarry

            lax.fori_loop(0, chunk // 16, fix_idx, 0)

            def edge_body(e, ecarry):
                sv = srows[e, pl.ds(0, 16)]
                dv = drows[e, pl.ds(dcol, 16)]
                av = aebuf[e, pl.ds(av_off, 16)]
                w = jnp.exp(_leaky(sv + dv + av))
                if ch == 8:
                    payload[e, pl.ds(0, 16)] = av
                    payload[e, pl.ds(16, 16)] = w
                    for j in range(nmsg):
                        bc = jnp.where(lohalf, w[1 + 2 * j], w[2 + 2 * j])
                        hv = srows[e, pl.ds(HOFF + j * 16, 16)]
                        payload[e, pl.ds(32 + j * 16, 16)] = bc * hv
                else:
                    w2 = w[1]
                    for j in range(nmsg):
                        hv = srows[e, pl.ds(HOFF + j * 16, 16)]
                        payload[e, pl.ds(j * 16, 16)] = hv * w2
                    tail = srows[e, pl.ds(HOFF + 120, 16)] + one8
                    payload[e, pl.ds(120, 16)] = tail * w2
                return ecarry

            lax.fori_loop(0, chunk, edge_body, 0)
            pltpu.sync_copy(payload, acc.at[didx], add=True)
            return carry

        lax.fori_loop(0, n_iter, chunk_body, 0)
        plsc.subcore_barrier()
        pltpu.sync_copy(acc.at[pl.ds(s * SUB_OFF, SUB_ROWS)],
                        out.at[pl.ds(c * HALF + s * SUB_OFF, SUB_ROWS)])

    return edge_pass


_edge_pass1 = _make_edge_pass(ROW1, ROW1, P1, CHUNK1, nmsg=4, ch=8,
                              dcol=112, av_off=0)
_edge_pass2 = _make_edge_pass(ROW2, 128, P2, CHUNK2, nmsg=8, ch=128,
                              dcol=0, av_off=16)


def _node1(x, W1, as1, ad1):
    BN = 1000
    NB = N // BN

    def body(x_ref, w_ref, as_ref, ad_ref, ts_ref):
        h = jnp.dot(x_ref[...], w_ref[...], preferred_element_type=jnp.float32)
        hr = h.reshape(BN, 8, 8)
        asv = (hr * as_ref[...][None]).sum(-1)
        adv = (hr * ad_ref[...][None]).sum(-1)
        z1 = jnp.zeros((BN, 1), jnp.float32)
        z7 = jnp.zeros((BN, 7), jnp.float32)
        z32 = jnp.zeros((BN, 32), jnp.float32)
        ts_ref[...] = jnp.concatenate([z1, asv, z7, h, z32, z1, adv, z7],
                                      axis=1)

    return pl.pallas_call(
        body,
        grid=(NB,),
        in_specs=[pl.BlockSpec((BN, 128), lambda i: (i, 0)),
                  pl.BlockSpec((128, 64), lambda i: (0, 0)),
                  pl.BlockSpec((8, 8), lambda i: (0, 0)),
                  pl.BlockSpec((8, 8), lambda i: (0, 0))],
        out_specs=pl.BlockSpec((BN, ROW1), lambda i: (i, 0)),
        out_shape=jax.ShapeDtypeStruct((N, ROW1), jnp.float32),
    )(x, W1, as1, ad1)


def _ae_tab(edge_attr, We1, ae1, We2, ae2):
    BB = 2000

    def body(ea_ref, we1_ref, a1_ref, we2_ref, a2_ref, out_ref):
        wef1 = (we1_ref[...].reshape(16, 8, 8) * a1_ref[...][None]).sum(-1)
        wef2 = jnp.dot(we2_ref[...], a2_ref[...],
                       preferred_element_type=jnp.float32)
        ea = ea_ref[...]
        t1 = jnp.dot(ea, wef1, preferred_element_type=jnp.float32)
        t2 = jnp.dot(ea, wef2, preferred_element_type=jnp.float32)
        one = jnp.ones((BB, 1), jnp.float32)
        z1 = jnp.zeros((BB, 1), jnp.float32)
        z6 = jnp.zeros((BB, 6), jnp.float32)
        z14 = jnp.zeros((BB, 14), jnp.float32)
        z96 = jnp.zeros((BB, 96), jnp.float32)
        out_ref[...] = jnp.concatenate([one, t1, t2, z6, z1, t2, z14, z96],
                                       axis=1)

    return pl.pallas_call(
        body,
        grid=(E // BB,),
        in_specs=[pl.BlockSpec((BB, 16), lambda i: (i, 0)),
                  pl.BlockSpec((16, 64), lambda i: (0, 0)),
                  pl.BlockSpec((8, 8), lambda i: (0, 0)),
                  pl.BlockSpec((16, 128), lambda i: (0, 0)),
                  pl.BlockSpec((128, 1), lambda i: (0, 0))],
        out_specs=pl.BlockSpec((BB, 128), lambda i: (i, 0)),
        out_shape=jax.ShapeDtypeStruct((E, 128), jnp.float32),
    )(edge_attr, We1, ae1, We2, ae2)


def _mid(acc1, ts1, W2, as2, ad2, b1):
    BN = 1000
    NB = N // BN
    hb = N // (BN * NC)

    def body(acc_ref, ts1_ref, w2_ref, as2_ref, ad2_ref, b1_ref,
             ts2_ref, ad2t_ref, aux_ref):
        a = acc_ref[...]
        deg = jnp.maximum(a[:, 0:1], 1.0)
        ae1l = a[:, 1:9] / deg
        ae2l = a[:, 9:10] / deg
        ts1 = ts1_ref[...]
        asrc1 = ts1[:, 1:9]
        h1 = ts1[:, 16:80]
        adst1 = ts1[:, 113:121]
        wl = jnp.exp(_leaky(asrc1 + adst1 + ae1l))
        denom = a[:, 17:25] + wl + 1e-16
        hr = h1.reshape(BN, 8, 8)
        msg = a[:, 32:96].reshape(BN, 8, 8) + wl[:, :, None] * hr
        o1 = (msg / denom[:, :, None]).reshape(BN, 64) + b1_ref[...]
        hact = jnp.where(o1 > 0, o1, jnp.exp(o1) - 1.0)
        h2 = jnp.dot(hact, w2_ref[...], preferred_element_type=jnp.float32)
        asrc2 = jnp.dot(h2, as2_ref[...], preferred_element_type=jnp.float32)
        adst2 = jnp.dot(h2, ad2_ref[...], preferred_element_type=jnp.float32)
        z1 = jnp.zeros((BN, 1), jnp.float32)
        z14 = jnp.zeros((BN, 14), jnp.float32)
        z112 = jnp.zeros((BN, 112), jnp.float32)
        z126 = jnp.zeros((BN, 126), jnp.float32)
        ts2_ref[...] = jnp.concatenate([z1, asrc2, z14, h2, z112], axis=1)
        ad2t_ref[...] = jnp.concatenate([z1, adst2, z126], axis=1)
        wl2 = jnp.exp(_leaky(asrc2 + adst2 + ae2l))
        aux_ref[...] = jnp.concatenate([wl2, jnp.zeros((BN, 7), jnp.float32)],
                                       axis=1)

    return pl.pallas_call(
        body,
        grid=(NB,),
        in_specs=[pl.BlockSpec((BN, P1), lambda i: (i, 0)),
                  pl.BlockSpec((BN, ROW1), lambda i: (i, 0)),
                  pl.BlockSpec((64, 128), lambda i: (0, 0)),
                  pl.BlockSpec((128, 1), lambda i: (0, 0)),
                  pl.BlockSpec((128, 1), lambda i: (0, 0)),
                  pl.BlockSpec((1, 64), lambda i: (0, 0))],
        out_specs=(pl.BlockSpec((BN, ROW2), lambda i: (i, 0)),
                   pl.BlockSpec((BN, 128), lambda i: (i, 0)),
                   pl.BlockSpec((BN, 8), lambda i: (i, 0))),
        out_shape=(jax.ShapeDtypeStruct((N, ROW2), jnp.float32),
                   jax.ShapeDtypeStruct((N, 128), jnp.float32),
                   jax.ShapeDtypeStruct((N, 8), jnp.float32)),
    )(acc1, ts1, W2, as2, ad2, b1)


def _final(acc2, ts2, aux, b2, batch3d):
    BN = 1000
    NB = N // BN
    hb = N // (BN * NC)

    def body(acc_ref, ts2_ref, aux_ref, b2_ref, bt_ref, out_ref, cnt_ref):
        i = pl.program_id(0)
        a = acc_ref[...]
        wl2 = aux_ref[...][:, 0:1]
        h2 = ts2_ref[...][:, 16:144]
        denom = a[:, 128:129] + wl2 + 1e-16
        o2 = (a[:, 0:128] + wl2 * h2) / denom + b2_ref[...]
        gids = lax.broadcasted_iota(jnp.int32, (G, BN), 0)
        mask = (bt_ref[0] == gids).astype(jnp.float32)
        ssum = jnp.dot(mask, o2, preferred_element_type=jnp.float32)
        cb = jnp.concatenate(
            [mask.sum(axis=1, keepdims=True), jnp.zeros((G, 7), jnp.float32)],
            axis=1)

        @pl.when(i == 0)
        def _():
            out_ref[...] = ssum
            cnt_ref[...] = cb

        @pl.when(i > 0)
        def _():
            out_ref[...] += ssum
            cnt_ref[...] += cb

        @pl.when(i == NB - 1)
        def _():
            out_ref[...] = out_ref[...] / jnp.maximum(cnt_ref[...][:, 0:1], 1.0)

    out, _cnt = pl.pallas_call(
        body,
        grid=(NB,),
        in_specs=[pl.BlockSpec((BN, P2), lambda i: (i, 0)),
                  pl.BlockSpec((BN, ROW2), lambda i: (i, 0)),
                  pl.BlockSpec((BN, 8), lambda i: (i, 0)),
                  pl.BlockSpec((1, 128), lambda i: (0, 0)),
                  pl.BlockSpec((1, 1, BN), lambda i: (i, 0, 0))],
        out_specs=(pl.BlockSpec((G, 128), lambda i: (0, 0)),
                   pl.BlockSpec((G, 8), lambda i: (0, 0))),
        out_shape=(jax.ShapeDtypeStruct((G, 128), jnp.float32),
                   jax.ShapeDtypeStruct((G, 8), jnp.float32)),
    )(acc2, ts2, aux, b2, batch3d)
    return out


def kernel(x, edge_index, edge_attr, batch,
           W1, att_src1, att_dst1, We1, att_e1, b1,
           W2, att_src2, att_dst2, We2, att_e2, b2):
    src = edge_index[0]
    dst = edge_index[1]
    ts1 = _node1(x, W1, att_src1.reshape(8, 8), att_dst1.reshape(8, 8))
    aet = _ae_tab(edge_attr, We1, att_e1.reshape(8, 8), We2,
                  att_e2.reshape(128, 1))
    acc1 = _edge_pass1(ts1, ts1, aet, src, dst)
    ts2, ad2t, aux = _mid(acc1, ts1, W2,
                          att_src2.reshape(128, 1), att_dst2.reshape(128, 1),
                          b1.reshape(1, 64))
    acc2 = _edge_pass2(ts2, ad2t, aet, src, dst)
    return _final(acc2, ts2, aux, b2.reshape(1, 128), batch.reshape(10, 1, 1000))

# --- scband reference (transcript-rebuilt; emitter-appended) ---
"""Pipeline reference for scband-gatwith-edge-attr-52639119180343 (READ-ONLY COPY).

The authoritative reference and input builder live on the scoring server;
editing this copy changes nothing except your own understanding.
"""

import jax, jax.numpy as jnp
import numpy as np

N = 10000
E = 320000
D_IN = 128
D_EDGE = 16
D_OUT = 128
H1, C1 = 8, 8
H2, C2 = 1, 128
G = 64


def setup_inputs(seed: int = 0) -> dict:
    key = jax.random.key(seed)
    ks = jax.random.split(key, 20)
    x = jax.random.normal(ks[0], (N, D_IN), dtype=jnp.float32)
    edge_index = jax.random.randint(ks[1], (2, E), 0, N, dtype=jnp.int32)
    edge_attr = jax.random.normal(ks[2], (E, D_EDGE), dtype=jnp.float32)
    batch = jnp.sort(jax.random.randint(ks[3], (N,), 0, G, dtype=jnp.int32))
    W1 = jax.random.normal(ks[4], (D_IN, H1 * C1), dtype=jnp.float32) * 0.1
    att_src1 = jax.random.normal(ks[5], (1, H1, C1), dtype=jnp.float32) * 0.1
    att_dst1 = jax.random.normal(ks[6], (1, H1, C1), dtype=jnp.float32) * 0.1
    We1 = jax.random.normal(ks[7], (D_EDGE, H1 * C1), dtype=jnp.float32) * 0.1
    att_e1 = jax.random.normal(ks[8], (1, H1, C1), dtype=jnp.float32) * 0.1
    b1 = jnp.zeros((H1 * C1,), dtype=jnp.float32)
    W2 = jax.random.normal(ks[9], (H1 * C1, H2 * C2), dtype=jnp.float32) * 0.1
    att_src2 = jax.random.normal(ks[10], (1, H2, C2), dtype=jnp.float32) * 0.1
    att_dst2 = jax.random.normal(ks[11], (1, H2, C2), dtype=jnp.float32) * 0.1
    We2 = jax.random.normal(ks[12], (D_EDGE, H2 * C2), dtype=jnp.float32) * 0.1
    att_e2 = jax.random.normal(ks[13], (1, H2, C2), dtype=jnp.float32) * 0.1
    b2 = jnp.zeros((H2 * C2,), dtype=jnp.float32)
    return {"x": x, "edge_index": edge_index, "edge_attr": edge_attr, "batch": batch,
            "W1": W1, "att_src1": att_src1, "att_dst1": att_dst1, "We1": We1, "att_e1": att_e1, "b1": b1,
            "W2": W2, "att_src2": att_src2, "att_dst2": att_dst2, "We2": We2, "att_e2": att_e2, "b2": b2}


def _gat_conv(x, edge_index, edge_attr, W, a_s, a_d, We, a_e, b, heads, ch, num_nodes):
    src = edge_index[0]
    dst = edge_index[1]
    # add self-loops with fill_value='mean' for edge_attr (PyG default)
    deg = jax.ops.segment_sum(jnp.ones((src.shape[0],), jnp.float32), dst, num_segments=num_nodes)
    loop_attr = jax.ops.segment_sum(edge_attr, dst, num_segments=num_nodes) / jnp.maximum(deg, 1.0)[:, None]
    loop = jnp.arange(num_nodes, dtype=src.dtype)
    src = jnp.concatenate([src, loop])
    dst = jnp.concatenate([dst, loop])
    ea = jnp.concatenate([edge_attr, loop_attr], axis=0)
    h = (x @ W).reshape(num_nodes, heads, ch)
    a_src = jnp.sum(h * a_s, axis=-1)  # [N, H]
    a_dst = jnp.sum(h * a_d, axis=-1)  # [N, H]
    e = (ea @ We).reshape(-1, heads, ch)
    a_edge = jnp.sum(e * a_e, axis=-1)  # [E+N, H]
    alpha = a_src[src] + a_dst[dst] + a_edge
    alpha = jax.nn.leaky_relu(alpha, negative_slope=0.2)
    amax = jax.ops.segment_max(alpha, dst, num_segments=num_nodes)
    amax = jax.lax.stop_gradient(jnp.where(jnp.isfinite(amax), amax, 0.0))
    alpha = jnp.exp(alpha - amax[dst])
    denom = jax.ops.segment_sum(alpha, dst, num_segments=num_nodes)
    alpha = alpha / (denom[dst] + 1e-16)
    msg = h[src] * alpha[:, :, None]
    out = jax.ops.segment_sum(msg, dst, num_segments=num_nodes)
    return out.reshape(num_nodes, heads * ch) + b


def reference(x, edge_index, edge_attr, batch, W1, att_src1, att_dst1, We1, att_e1, b1, W2, att_src2, att_dst2, We2, att_e2, b2):
    h = _gat_conv(x, edge_index, edge_attr, W1, att_src1, att_dst1, We1, att_e1, b1, H1, C1, N)
    h = jax.nn.elu(h)
    h = _gat_conv(h, edge_index, edge_attr, W2, att_src2, att_dst2, We2, att_e2, b2, H2, C2, N)
    cnt = jax.ops.segment_sum(jnp.ones((N,), jnp.float32), batch, num_segments=G)
    s = jax.ops.segment_sum(h, batch, num_segments=G)
    return s / jnp.maximum(cnt, 1.0)[:, None]

if __name__ == "__main__":
    import jax
    _d = setup_inputs()
    print(jax.jit(kernel)(*tuple(_d.values())))

</pallas_src>

<mosaic_0001>
#map = affine_map<(d0, d1) -> (0, 0)>
#map1 = affine_map<(d0, d1) -> (0)>
module attributes {stable_mosaic.version = 14 : i64} {
  func.func @edge_pass(%arg0: i32, %arg1: i32, %arg2: memref<10000x128xf32, #tpu.memory_space<hbm>>, %arg3: memref<10000x128xf32, #tpu.memory_space<hbm>>, %arg4: memref<320000x128xf32, #tpu.memory_space<hbm>>, %arg5: memref<320000xi32, #tpu.memory_space<hbm>>, %arg6: memref<320000xi32, #tpu.memory_space<hbm>>, %arg7: memref<10000x96xf32, #tpu.memory_space<hbm>>, %arg8: memref<160xi32, #tpu.memory_space<vmem>>, %arg9: memref<160xi32, #tpu.memory_space<vmem>>, %arg10: memref<160x128xf32, #tpu.memory_space<vmem>>, %arg11: memref<160x128xf32, #tpu.memory_space<vmem>>, %arg12: memref<160x128xf32, #tpu.memory_space<vmem>>, %arg13: memref<160x96xf32, #tpu.memory_space<vmem>>, %arg14: memref<80x96xf32, #tpu.memory_space<vmem>>, %arg15: memref<5008x96xf32, #tpu.memory_space<vmem_shared>>, %arg16: memref<!tpu.dma_semaphore, #tpu.memory_space<semaphore_mem>>, %arg17: memref<!tpu.dma_semaphore, #tpu.memory_space<semaphore_mem>>) attributes {dimension_semantics = [#tpu.dimension_semantics<core_parallel>, #tpu.dimension_semantics<subcore_parallel>], iteration_bounds = array<i64: 2, 16>, scalar_prefetch = 0 : i64, scratch_operands = 10 : i64, tpu.core_type = #tpu.core_type<sc_vector_subcore>, window_params = [{transform_indices = #map}, {transform_indices = #map}, {transform_indices = #map}, {transform_indices = #map1}, {transform_indices = #map1}, {transform_indices = #map}]} {
    %iota3A = tpu.iota {dimensions = array<i32: 0>} : vector<16xi32>
    %mul3A = arith.constant 0 : i32
    %mul3A_0 = vector.broadcast %mul3A : i32 to vector<16xi32>
    %mul3A_1 = arith.muli %iota3A, %mul3A_0 : vector<16xi32>
    %convert_element_type3A = arith.sitofp %mul3A_1 : vector<16xi32> to vector<16xf32>
    %mul3A_2 = arith.constant 5000 : i32
    %mul3A_3 = arith.muli %arg0, %mul3A_2 : i32
    %lt3A = arith.constant 8 : i32
    %lt3A_4 = vector.broadcast %lt3A : i32 to vector<16xi32>
    %lt3A_5 = arith.cmpi slt, %iota3A, %lt3A_4 : vector<16xi32>
    %eq3A = arith.constant 8 : i32
    %eq3A_6 = vector.broadcast %eq3A : i32 to vector<16xi32>
    %eq3A_7 = arith.cmpi eq, %iota3A, %eq3A_6 : vector<16xi32>
    %jit3A = arith.constant 1.000000e+00 : f32
    %jit3A_8 = arith.constant 0.000000e+00 : f32
    %broadcast_in_dim3A = vector.broadcast %jit3A : f32 to vector<16xf32>
    %broadcast_in_dim3A_9 = vector.broadcast %jit3A_8 : f32 to vector<16xf32>
    %select_n3A = arith.select %eq3A_7, %broadcast_in_dim3A, %broadcast_in_dim3A_9 : vector<16xi1>, vector<16xf32>
    %scan3A = arith.constant 0 : i32
    %scan3A_10 = arith.constant 0 : i32
    %scan3A_11 = arith.constant 80 : i32
    %scan3A_12 = arith.addi %scan3A_10, %scan3A_11 : i32
    %scan3A_13 = arith.constant 1 : i32
    scf.for %scan3A_34 = %scan3A_10 to %scan3A_12 step %scan3A_13  : i32 {
      %swap3A = arith.index_cast %scan3A_34 : i32 to index
      %swap3A_35 = arith.constant 0 : index
      %swap3A_36 = tpu.vector_load %arg14[%swap3A, %swap3A_35] {strides = array<i32>} : memref<80x96xf32, #tpu.memory_space<vmem>>, vector<1x16xf32>,
      %swap3A_37 = vector.shape_cast %swap3A_36 : vector<1x16xf32> to vector<16xf32>
      %swap3A_38 = vector.shape_cast %convert_element_type3A : vector<16xf32> to vector<1x16xf32>
      tpu.vector_store %arg14[%swap3A, %swap3A_35], %swap3A_38 {strides = array<i32>} : memref<80x96xf32, #tpu.memory_space<vmem>>, vector<1x16xf32>,
      %swap3A_39 = arith.index_cast %scan3A_34 : i32 to index
      %swap3A_40 = arith.constant 16 : index
      %swap3A_41 = tpu.vector_load %arg14[%swap3A_39, %swap3A_40] {strides = array<i32>} : memref<80x96xf32, #tpu.memory_space<vmem>>, vector<1x16xf32>,
      %swap3A_42 = vector.shape_cast %swap3A_41 : vector<1x16xf32> to vector<16xf32>
      %swap3A_43 = vector.shape_cast %convert_element_type3A : vector<16xf32> to vector<1x16xf32>
      tpu.vector_store %arg14[%swap3A_39, %swap3A_40], %swap3A_43 {strides = array<i32>} : memref<80x96xf32, #tpu.memory_space<vmem>>, vector<1x16xf32>,
      %swap3A_44 = arith.index_cast %scan3A_34 : i32 to index
      %swap3A_45 = arith.constant 32 : index
      %swap3A_46 = tpu.vector_load %arg14[%swap3A_44, %swap3A_45] {strides = array<i32>} : memref<80x96xf32, #tpu.memory_space<vmem>>, vector<1x16xf32>,
      %swap3A_47 = vector.shape_cast %swap3A_46 : vector<1x16xf32> to vector<16xf32>
      %swap3A_48 = vector.shape_cast %convert_element_type3A : vector<16xf32> to vector<1x16xf32>
      tpu.vector_store %arg14[%swap3A_44, %swap3A_45], %swap3A_48 {strides = array<i32>} : memref<80x96xf32, #tpu.memory_space<vmem>>, vector<1x16xf32>,
      %swap3A_49 = arith.index_cast %scan3A_34 : i32 to index
      %swap3A_50 = arith.constant 48 : index
      %swap3A_51 = tpu.vector_load %arg14[%swap3A_49, %swap3A_50] {strides = array<i32>} : memref<80x96xf32, #tpu.memory_space<vmem>>, vector<1x16xf32>,
      %swap3A_52 = vector.shape_cast %swap3A_51 : vector<1x16xf32> to vector<16xf32>
      %swap3A_53 = vector.shape_cast %convert_element_type3A : vector<16xf32> to vector<1x16xf32>
      tpu.vector_store %arg14[%swap3A_49, %swap3A_50], %swap3A_53 {strides = array<i32>} : memref<80x96xf32, #tpu.memory_space<vmem>>, vector<1x16xf32>,
      %swap3A_54 = arith.index_cast %scan3A_34 : i32 to index
      %swap3A_55 = arith.constant 64 : index
      %swap3A_56 = tpu.vector_load %arg14[%swap3A_54, %swap3A_55] {strides = array<i32>} : memref<80x96xf32, #tpu.memory_space<vmem>>, vector<1x16xf32>,
      %swap3A_57 = vector.shape_cast %swap3A_56 : vector<1x16xf32> to vector<16xf32>
      %swap3A_58 = vector.shape_cast %convert_element_type3A : vector<16xf32> to vector<1x16xf32>
      tpu.vector_store %arg14[%swap3A_54, %swap3A_55], %swap3A_58 {strides = array<i32>} : memref<80x96xf32, #tpu.memory_space<vmem>>, vector<1x16xf32>,
      %swap3A_59 = arith.index_cast %scan3A_34 : i32 to index
      %swap3A_60 = arith.constant 80 : index
      %swap3A_61 = tpu.vector_load %arg14[%swap3A_59, %swap3A_60] {strides = array<i32>} : memref<80x96xf32, #tpu.memory_space<vmem>>, vector<1x16xf32>,
      %swap3A_62 = vector.shape_cast %swap3A_61 : vector<1x16xf32> to vector<16xf32>
      %swap3A_63 = vector.shape_cast %convert_element_type3A : vector<16xf32> to vector<1x16xf32>
      tpu.vector_store %arg14[%swap3A_59, %swap3A_60], %swap3A_63 {strides = array<i32>} : memref<80x96xf32, #tpu.memory_space<vmem>>, vector<1x16xf32>,
    }
    %scan3A_14 = arith.constant 80 : i32
    %scan3A_15 = arith.constant 0 : i32
    %scan3A_16 = arith.constant 0 : i32
    %scan3A_17 = arith.constant 4 : i32
    %scan3A_18 = arith.addi %scan3A_16, %scan3A_17 : i32
    %scan3A_19 = arith.constant 1 : i32
    scf.for %scan3A_34 = %scan3A_16 to %scan3A_18 step %scan3A_19  : i32 {
      %mul3A_35 = arith.constant 312 : i32
      %mul3A_36 = arith.muli %arg1, %mul3A_35 : i32
      %mul3A_37 = arith.constant 80 : i32
      %mul3A_38 = arith.muli %scan3A_34, %mul3A_37 : i32
      %add3A_39 = arith.addi %mul3A_36, %mul3A_38 : i32
      "tpu.region"() ({
        %run_scoped3A = tpu.sem_alloc : memref<!tpu.dma_semaphore, #tpu.memory_space<semaphore_mem>>
        %dma_start3A = arith.constant 0 : i32
        %dma_start3A_40 = tpu.memref_slice %arg15[%add3A_39, %dma_start3A] : memref<5008x96xf32, #tpu.memory_space<vmem_shared>> -> memref<80x96xf32, #tpu.memory_space<vmem_shared>>
        %dma_start3A_41 = arith.constant 0 : i32
        %dma_start3A_42 = tpu.memref_slice %arg15[%add3A_39, %dma_start3A_41] : memref<5008x96xf32, #tpu.memory_space<vmem_shared>> -> memref<80x96xf32, #tpu.memory_space<vmem_shared>>
        tpu.enqueue_dma source(%arg14 : memref<80x96xf32, #tpu.memory_space<vmem>>) target(%dma_start3A_42 : memref<80x96xf32, #tpu.memory_space<vmem_shared>>) target_semaphore(%run_scoped3A : memref<!tpu.dma_semaphore, #tpu.memory_space<semaphore_mem>>)
        %dma_wait3A = arith.constant 0 : i32
        %dma_wait3A_43 = tpu.memref_slice %arg15[%add3A_39, %dma_wait3A] : memref<5008x96xf32, #tpu.memory_space<vmem_shared>> -> memref<80x96xf32, #tpu.memory_space<vmem_shared>>
        %dma_wait3A_44 = arith.constant 0 : i32
        %dma_wait3A_45 = tpu.memref_slice %arg15[%add3A_39, %dma_wait3A_44] : memref<5008x96xf32, #tpu.memory_space<vmem_shared>> -> memref<80x96xf32, #tpu.memory_space<vmem_shared>>
        tpu.wait_dma2 semaphore(%run_scoped3A : memref<!tpu.dma_semaphore, #tpu.memory_space<semaphore_mem>>) src(%arg14 : memref<80x96xf32, #tpu.memory_space<vmem>>) dst(%dma_wait3A_45 : memref<80x96xf32, #tpu.memory_space<vmem_shared>>)
        tpu.yield
      }) : () -> ()
    }
    %scan3A_20 = arith.constant 4 : i32
    %barrier3A = arith.constant 0 : index
    tpu.barrier barrier_id(%barrier3A)
    %scan3A_21 = arith.constant 0 : i32
    %scan3A_22 = arith.constant 0 : i32
    %scan3A_23 = arith.constant 125 : i32
    %scan3A_24 = arith.addi %scan3A_22, %scan3A_23 : i32
    %scan3A_25 = arith.constant 1 : i32
    scf.for %scan3A_34 = %scan3A_22 to %scan3A_24 step %scan3A_25  : i32 {
      %mul3A_35 = arith.constant 20000 : i32
      %mul3A_36 = arith.muli %arg1, %mul3A_35 : i32
      %mul3A_37 = arith.constant 160 : i32
      %mul3A_38 = arith.muli %scan3A_34, %mul3A_37 : i32
      %add3A_39 = arith.addi %mul3A_36, %mul3A_38 : i32
      "tpu.region"() ({
        %run_scoped3A = tpu.sem_alloc : memref<!tpu.dma_semaphore, #tpu.memory_space<semaphore_mem>>
        %dma_start3A_62 = tpu.memref_slice %arg5[%add3A_39] : memref<320000xi32, #tpu.memory_space<hbm>> -> memref<160xi32, #tpu.memory_space<hbm>>
        %dma_start3A_63 = tpu.memref_slice %arg5[%add3A_39] : memref<320000xi32, #tpu.memory_space<hbm>> -> memref<160xi32, #tpu.memory_space<hbm>>
        tpu.enqueue_dma source(%dma_start3A_63 : memref<160xi32, #tpu.memory_space<hbm>>) target(%arg8 : memref<160xi32, #tpu.memory_space<vmem>>) target_semaphore(%run_scoped3A : memref<!tpu.dma_semaphore, #tpu.memory_space<semaphore_mem>>)
        %dma_wait3A_64 = tpu.memref_slice %arg5[%add3A_39] : memref<320000xi32, #tpu.memory_space<hbm>> -> memref<160xi32, #tpu.memory_space<hbm>>
        %dma_wait3A_65 = tpu.memref_slice %arg5[%add3A_39] : memref<320000xi32, #tpu.memory_space<hbm>> -> memref<160xi32, #tpu.memory_space<hbm>>
        tpu.wait_dma2 semaphore(%run_scoped3A : memref<!tpu.dma_semaphore, #tpu.memory_space<semaphore_mem>>) src(%dma_wait3A_65 : memref<160xi32, #tpu.memory_space<hbm>>) dst(%arg8 : memref<160xi32, #tpu.memory_space<vmem>>)
        tpu.yield
      }) : () -> ()
      "tpu.region"() ({
        %run_scoped3A = tpu.sem_alloc : memref<!tpu.dma_semaphore, #tpu.memory_space<semaphore_mem>>
        %dma_start3A_62 = tpu.memref_slice %arg6[%add3A_39] : memref<320000xi32, #tpu.memory_space<hbm>> -> memref<160xi32, #tpu.memory_space<hbm>>
        %dma_start3A_63 = tpu.memref_slice %arg6[%add3A_39] : memref<320000xi32, #tpu.memory_space<hbm>> -> memref<160xi32, #tpu.memory_space<hbm>>
        tpu.enqueue_dma source(%dma_start3A_63 : memref<160xi32, #tpu.memory_space<hbm>>) target(%arg9 : memref<160xi32, #tpu.memory_space<vmem>>) target_semaphore(%run_scoped3A : memref<!tpu.dma_semaphore, #tpu.memory_space<semaphore_mem>>)
        %dma_wait3A_64 = tpu.memref_slice %arg6[%add3A_39] : memref<320000xi32, #tpu.memory_space<hbm>> -> memref<160xi32, #tpu.memory_space<hbm>>
        %dma_wait3A_65 = tpu.memref_slice %arg6[%add3A_39] : memref<320000xi32, #tpu.memory_space<hbm>> -> memref<160xi32, #tpu.memory_space<hbm>>
        tpu.wait_dma2 semaphore(%run_scoped3A : memref<!tpu.dma_semaphore, #tpu.memory_space<semaphore_mem>>) src(%dma_wait3A_65 : memref<160xi32, #tpu.memory_space<hbm>>) dst(%arg9 : memref<160xi32, #tpu.memory_space<vmem>>)
        tpu.yield
      }) : () -> ()
      %dma_start3A = arith.constant 0 : i32
      %dma_start3A_40 = arith.constant 0 : i32
      %dma_start3A_41 = tpu.memref_slice %arg2[%dma_start3A, %dma_start3A_40] : memref<10000x128xf32, #tpu.memory_space<hbm>> -> memref<10000x128xf32, #tpu.memory_space<hbm>>
      tpu.enqueue_indirect_dma source(%dma_start3A_41 : memref<10000x128xf32, #tpu.memory_space<hbm>>) target(%arg10 : memref<160x128xf32, #tpu.memory_space<vmem>>) offsets(%arg8 : memref<160xi32, #tpu.memory_space<vmem>>) semaphore(%arg16 : memref<!tpu.dma_semaphore, #tpu.memory_space<semaphore_mem>>)
      %dma_start3A_42 = arith.constant 0 : i32
      %dma_start3A_43 = arith.constant 0 : i32
      %dma_start3A_44 = tpu.memref_slice %arg3[%dma_start3A_42, %dma_start3A_43] : memref<10000x128xf32, #tpu.memory_space<hbm>> -> memref<10000x128xf32, #tpu.memory_space<hbm>>
      tpu.enqueue_indirect_dma source(%dma_start3A_44 : memref<10000x128xf32, #tpu.memory_space<hbm>>) target(%arg11 : memref<160x128xf32, #tpu.memory_space<vmem>>) offsets(%arg9 : memref<160xi32, #tpu.memory_space<vmem>>) semaphore(%arg17 : memref<!tpu.dma_semaphore, #tpu.memory_space<semaphore_mem>>)
      "tpu.region"() ({
        %run_scoped3A = tpu.sem_alloc : memref<!tpu.dma_semaphore, #tpu.memory_space<semaphore_mem>>
        %dma_start3A_62 = arith.constant 0 : i32
        %dma_start3A_63 = tpu.memref_slice %arg4[%add3A_39, %dma_start3A_62] : memref<320000x128xf32, #tpu.memory_space<hbm>> -> memref<160x128xf32, #tpu.memory_space<hbm>>
        %dma_start3A_64 = arith.constant 0 : i32
        %dma_start3A_65 = tpu.memref_slice %arg4[%add3A_39, %dma_start3A_64] : memref<320000x128xf32, #tpu.memory_space<hbm>> -> memref<160x128xf32, #tpu.memory_space<hbm>>
        tpu.enqueue_dma source(%dma_start3A_65 : memref<160x128xf32, #tpu.memory_space<hbm>>) target(%arg12 : memref<160x128xf32, #tpu.memory_space<vmem>>) target_semaphore(%run_scoped3A : memref<!tpu.dma_semaphore, #tpu.memory_space<semaphore_mem>>)
        %dma_wait3A_66 = arith.constant 0 : i32
        %dma_wait3A_67 = tpu.memref_slice %arg4[%add3A_39, %dma_wait3A_66] : memref<320000x128xf32, #tpu.memory_space<hbm>> -> memref<160x128xf32, #tpu.memory_space<hbm>>
        %dma_wait3A_68 = arith.constant 0 : i32
        %dma_wait3A_69 = tpu.memref_slice %arg4[%add3A_39, %dma_wait3A_68] : memref<320000x128xf32, #tpu.memory_space<hbm>> -> memref<160x128xf32, #tpu.memory_space<hbm>>
        tpu.wait_dma2 semaphore(%run_scoped3A : memref<!tpu.dma_semaphore, #tpu.memory_space<semaphore_mem>>) src(%dma_wait3A_69 : memref<160x128xf32, #tpu.memory_space<hbm>>) dst(%arg12 : memref<160x128xf32, #tpu.memory_space<vmem>>)
        tpu.yield
      }) : () -> ()
      %dma_wait3A = arith.constant 0 : i32
      %dma_wait3A_45 = arith.constant 0 : i32
      %dma_wait3A_46 = tpu.memref_slice %arg3[%dma_wait3A, %dma_wait3A_45] : memref<10000x128xf32, #tpu.memory_space<hbm>> -> memref<10000x128xf32, #tpu.memory_space<hbm>>
      tpu.wait_indirect_dma semaphore(%arg17 : memref<!tpu.dma_semaphore, #tpu.memory_space<semaphore_mem>>) src(%dma_wait3A_46 : memref<10000x128xf32, #tpu.memory_space<hbm>>) dst(%arg11 : memref<160x128xf32, #tpu.memory_space<vmem>>)
      %dma_wait3A_47 = arith.constant 0 : i32
      %dma_wait3A_48 = arith.constant 0 : i32
      %dma_wait3A_49 = tpu.memref_slice %arg2[%dma_wait3A_47, %dma_wait3A_48] : memref<10000x128xf32, #tpu.memory_space<hbm>> -> memref<10000x128xf32, #tpu.memory_space<hbm>>
      tpu.wait_indirect_dma semaphore(%arg16 : memref<!tpu.dma_semaphore, #tpu.memory_space<semaphore_mem>>) src(%dma_wait3A_49 : memref<10000x128xf32, #tpu.memory_space<hbm>>) dst(%arg10 : memref<160x128xf32, #tpu.memory_space<vmem>>)
      %scan3A_50 = arith.constant 0 : i32
      %scan3A_51 = arith.constant 0 : i32
      %scan3A_52 = arith.constant 10 : i32
      %scan3A_53 = arith.addi %scan3A_51, %scan3A_52 : i32
      %scan3A_54 = arith.constant 1 : i32
      scf.for %scan3A_62 = %scan3A_51 to %scan3A_53 step %scan3A_54  : i32 {
        %mul3A_63 = arith.constant 16 : i32
        %mul3A_64 = arith.muli %scan3A_62, %mul3A_63 : i32
        %get3A = arith.index_cast %mul3A_64 : i32 to index
        %get3A_65 = tpu.vector_load %arg9[%get3A] {strides = array<i32>} : memref<160xi32, #tpu.memory_space<vmem>>, vector<16xi32>,
        %get3A_66 = vector.shape_cast %get3A_65 : vector<16xi32> to vector<16xi32>
        %sub3A = vector.broadcast %mul3A_3 : i32 to vector<16xi32>
        %sub3A_67 = arith.subi %get3A_66, %sub3A : vector<16xi32>
        %lt3A_68 = arith.constant 0 : i32
        %lt3A_69 = vector.broadcast %lt3A_68 : i32 to vector<16xi32>
        %lt3A_70 = arith.cmpi slt, %sub3A_67, %lt3A_69 : vector<16xi32>
        %ge3A = arith.constant 5000 : i32
        %ge3A_71 = vector.broadcast %ge3A : i32 to vector<16xi32>
        %ge3A_72 = arith.cmpi sge, %sub3A_67, %ge3A_71 : vector<16xi32>
        %or3A = arith.ori %lt3A_70, %ge3A_72 : vector<16xi1>
        %jit3A_73 = arith.constant 5000 : i32
        %broadcast_in_dim3A_74 = vector.broadcast %jit3A_73 : i32 to vector<16xi32>
        %select_n3A_75 = arith.select %or3A, %broadcast_in_dim3A_74, %sub3A_67 : vector<16xi1>, vector<16xi32>
        %mul3A_76 = arith.constant 16 : i32
        %mul3A_77 = arith.muli %scan3A_62, %mul3A_76 : i32
        %swap3A = arith.index_cast %mul3A_77 : i32 to index
        %swap3A_78 = tpu.vector_load %arg9[%swap3A] {strides = array<i32>} : memref<160xi32, #tpu.memory_space<vmem>>, vector<16xi32>,
        %swap3A_79 = vector.shape_cast %swap3A_78 : vector<16xi32> to vector<16xi32>
        %swap3A_80 = vector.shape_cast %select_n3A_75 : vector<16xi32> to vector<16xi32>
        tpu.vector_store %arg9[%swap3A], %swap3A_80 {strides = array<i32>} : memref<160xi32, #tpu.memory_space<vmem>>, vector<16xi32>,
      }
      %scan3A_55 = arith.constant 10 : i32
      %scan3A_56 = arith.constant 0 : i32
      %scan3A_57 = arith.constant 0 : i32
      %scan3A_58 = arith.constant 160 : i32
      %scan3A_59 = arith.addi %scan3A_57, %scan3A_58 : i32
      %scan3A_60 = arith.constant 1 : i32
      scf.for %scan3A_62 = %scan3A_57 to %scan3A_59 step %scan3A_60  : i32 {
        %get3A = arith.index_cast %scan3A_62 : i32 to index
        %get3A_63 = arith.constant 0 : index
        %get3A_64 = tpu.vector_load %arg10[%get3A, %get3A_63] {strides = array<i32>} : memref<160x128xf32, #tpu.memory_space<vmem>>, vector<1x16xf32>,
        %get3A_65 = vector.shape_cast %get3A_64 : vector<1x16xf32> to vector<16xf32>
        %get3A_66 = arith.index_cast %scan3A_62 : i32 to index
        %get3A_67 = arith.constant 112 : index
        %get3A_68 = tpu.vector_load %arg11[%get3A_66, %get3A_67] {strides = array<i32>} : memref<160x128xf32, #tpu.memory_space<vmem>>, vector<1x16xf32>,
        %get3A_69 = vector.shape_cast %get3A_68 : vector<1x16xf32> to vector<16xf32>
        %get3A_70 = arith.index_cast %scan3A_62 : i32 to index
        %get3A_71 = arith.constant 0 : index
        %get3A_72 = tpu.vector_load %arg12[%get3A_70, %get3A_71] {strides = array<i32>} : memref<160x128xf32, #tpu.memory_space<vmem>>, vector<1x16xf32>,
        %get3A_73 = vector.shape_cast %get3A_72 : vector<1x16xf32> to vector<16xf32>
        %add3A_74 = arith.addf %get3A_65, %get3A_69 : vector<16xf32>
        %add3A_75 = arith.addf %add3A_74, %get3A_73 : vector<16xf32>
        %gt3A = arith.constant 0.000000e+00 : f32
        %gt3A_76 = vector.broadcast %gt3A : f32 to vector<16xf32>
        %gt3A_77 = arith.cmpf ogt, %add3A_75, %gt3A_76 : vector<16xf32>
        %mul3A_78 = arith.constant 2.000000e-01 : f32
        %mul3A_79 = vector.broadcast %mul3A_78 : f32 to vector<16xf32>
        %mul3A_80 = arith.mulf %mul3A_79, %add3A_75 : vector<16xf32>
        %select_n3A_81 = arith.select %gt3A_77, %add3A_75, %mul3A_80 : vector<16xi1>, vector<16xf32>
        %exp3A = math.exp %select_n3A_81 : vector<16xf32>
        %swap3A = arith.index_cast %scan3A_62 : i32 to index
        %swap3A_82 = arith.constant 0 : index
        %swap3A_83 = tpu.vector_load %arg13[%swap3A, %swap3A_82] {strides = array<i32>} : memref<160x96xf32, #tpu.memory_space<vmem>>, vector<1x16xf32>,
        %swap3A_84 = vector.shape_cast %swap3A_83 : vector<1x16xf32> to vector<16xf32>
        %swap3A_85 = vector.shape_cast %get3A_73 : vector<16xf32> to vector<1x16xf32>
        tpu.vector_store %arg13[%swap3A, %swap3A_82], %swap3A_85 {strides = array<i32>} : memref<160x96xf32, #tpu.memory_space<vmem>>, vector<1x16xf32>,
        %swap3A_86 = arith.index_cast %scan3A_62 : i32 to index
        %swap3A_87 = arith.constant 16 : index
        %swap3A_88 = tpu.vector_load %arg13[%swap3A_86, %swap3A_87] {strides = array<i32>} : memref<160x96xf32, #tpu.memory_space<vmem>>, vector<1x16xf32>,
        %swap3A_89 = vector.shape_cast %swap3A_88 : vector<1x16xf32> to vector<16xf32>
        %swap3A_90 = vector.shape_cast %exp3A : vector<16xf32> to vector<1x16xf32>
        tpu.vector_store %arg13[%swap3A_86, %swap3A_87], %swap3A_90 {strides = array<i32>} : memref<160x96xf32, #tpu.memory_space<vmem>>, vector<1x16xf32>,
        %slice3A = vector.extract_strided_slice %exp3A {offsets = [1], sizes = [1], strides = [1]} : vector<16xf32> to vector<1xf32>
        %squeeze3A = vector.extract %slice3A[0] : f32 from vector<1xf32>
        %slice3A_91 = vector.extract_strided_slice %exp3A {offsets = [2], sizes = [1], strides = [1]} : vector<16xf32> to vector<1xf32>
        %squeeze3A_92 = vector.extract %slice3A_91[0] : f32 from vector<1xf32>
        %broadcast_in_dim3A_93 = vector.broadcast %squeeze3A : f32 to vector<16xf32>
        %broadcast_in_dim3A_94 = vector.broadcast %squeeze3A_92 : f32 to vector<16xf32>
        %select_n3A_95 = arith.select %lt3A_5, %broadcast_in_dim3A_93, %broadcast_in_dim3A_94 : vector<16xi1>, vector<16xf32>
        %get3A_96 = arith.index_cast %scan3A_62 : i32 to index
        %get3A_97 = arith.constant 16 : index
        %get3A_98 = tpu.vector_load %arg10[%get3A_96, %get3A_97] {strides = array<i32>} : memref<160x128xf32, #tpu.memory_space<vmem>>, vector<1x16xf32>,
        %get3A_99 = vector.shape_cast %get3A_98 : vector<1x16xf32> to vector<16xf32>
        %mul3A_100 = arith.mulf %select_n3A_95, %get3A_99 : vector<16xf32>
        %swap3A_101 = arith.index_cast %scan3A_62 : i32 to index
        %swap3A_102 = arith.constant 32 : index
        %swap3A_103 = tpu.vector_load %arg13[%swap3A_101, %swap3A_102] {strides = array<i32>} : memref<160x96xf32, #tpu.memory_space<vmem>>, vector<1x16xf32>,
        %swap3A_104 = vector.shape_cast %swap3A_103 : vector<1x16xf32> to vector<16xf32>
        %swap3A_105 = vector.shape_cast %mul3A_100 : vector<16xf32> to vector<1x16xf32>
        tpu.vector_store %arg13[%swap3A_101, %swap3A_102], %swap3A_105 {strides = array<i32>} : memref<160x96xf32, #tpu.memory_space<vmem>>, vector<1x16xf32>,
        %slice3A_106 = vector.extract_strided_slice %exp3A {offsets = [3], sizes = [1], strides = [1]} : vector<16xf32> to vector<1xf32>
        %squeeze3A_107 = vector.extract %slice3A_106[0] : f32 from vector<1xf32>
        %slice3A_108 = vector.extract_strided_slice %exp3A {offsets = [4], sizes = [1], strides = [1]} : vector<16xf32> to vector<1xf32>
        %squeeze3A_109 = vector.extract %slice3A_108[0] : f32 from vector<1xf32>
        %broadcast_in_dim3A_110 = vector.broadcast %squeeze3A_107 : f32 to vector<16xf32>
        %broadcast_in_dim3A_111 = vector.broadcast %squeeze3A_109 : f32 to vector<16xf32>
        %select_n3A_112 = arith.select %lt3A_5, %broadcast_in_dim3A_110, %broadcast_in_dim3A_111 : vector<16xi1>, vector<16xf32>
        %get3A_113 = arith.index_cast %scan3A_62 : i32 to index
        %get3A_114 = arith.constant 32 : index
        %get3A_115 = tpu.vector_load %arg10[%get3A_113, %get3A_114] {strides = array<i32>} : memref<160x128xf32, #tpu.memory_space<vmem>>, vector<1x16xf32>,
        %get3A_116 = vector.shape_cast %get3A_115 : vector<1x16xf32> to vector<16xf32>
        %mul3A_117 = arith.mulf %select_n3A_112, %get3A_116 : vector<16xf32>
        %swap3A_118 = arith.index_cast %scan3A_62 : i32 to index
        %swap3A_119 = arith.constant 48 : index
        %swap3A_120 = tpu.vector_load %arg13[%swap3A_118, %swap3A_119] {strides = array<i32>} : memref<160x96xf32, #tpu.memory_space<vmem>>, vector<1x16xf32>,
        %swap3A_121 = vector.shape_cast %swap3A_120 : vector<1x16xf32> to vector<16xf32>
        %swap3A_122 = vector.shape_cast %mul3A_117 : vector<16xf32> to vector<1x16xf32>
        tpu.vector_store %arg13[%swap3A_118, %swap3A_119], %swap3A_122 {strides = array<i32>} : memref<160x96xf32, #tpu.memory_space<vmem>>, vector<1x16xf32>,
        %slice3A_123 = vector.extract_strided_slice %exp3A {offsets = [5], sizes = [1], strides = [1]} : vector<16xf32> to vector<1xf32>
        %squeeze3A_124 = vector.extract %slice3A_123[0] : f32 from vector<1xf32>
        %slice3A_125 = vector.extract_strided_slice %exp3A {offsets = [6], sizes = [1], strides = [1]} : vector<16xf32> to vector<1xf32>
        %squeeze3A_126 = vector.extract %slice3A_125[0] : f32 from vector<1xf32>
        %broadcast_in_dim3A_127 = vector.broadcast %squeeze3A_124 : f32 to vector<16xf32>
        %broadcast_in_dim3A_128 = vector.broadcast %squeeze3A_126 : f32 to vector<16xf32>
        %select_n3A_129 = arith.select %lt3A_5, %broadcast_in_dim3A_127, %broadcast_in_dim3A_128 : vector<16xi1>, vector<16xf32>
        %get3A_130 = arith.index_cast %scan3A_62 : i32 to index
        %get3A_131 = arith.constant 48 : index
        %get3A_132 = tpu.vector_load %arg10[%get3A_130, %get3A_131] {strides = array<i32>} : memref<160x128xf32, #tpu.memory_space<vmem>>, vector<1x16xf32>,
        %get3A_133 = vector.shape_cast %get3A_132 : vector<1x16xf32> to vector<16xf32>
        %mul3A_134 = arith.mulf %select_n3A_129, %get3A_133 : vector<16xf32>
        %swap3A_135 = arith.index_cast %scan3A_62 : i32 to index
        %swap3A_136 = arith.constant 64 : index
        %swap3A_137 = tpu.vector_load %arg13[%swap3A_135, %swap3A_136] {strides = array<i32>} : memref<160x96xf32, #tpu.memory_space<vmem>>, vector<1x16xf32>,
        %swap3A_138 = vector.shape_cast %swap3A_137 : vector<1x16xf32> to vector<16xf32>
        %swap3A_139 = vector.shape_cast %mul3A_134 : vector<16xf32> to vector<1x16xf32>
        tpu.vector_store %arg13[%swap3A_135, %swap3A_136], %swap3A_139 {strides = array<i32>} : memref<160x96xf32, #tpu.memory_space<vmem>>, vector<1x16xf32>,
        %slice3A_140 = vector.extract_strided_slice %exp3A {offsets = [7], sizes = [1], strides = [1]} : vector<16xf32> to vector<1xf32>
        %squeeze3A_141 = vector.extract %slice3A_140[0] : f32 from vector<1xf32>
        %slice3A_142 = vector.extract_strided_slice %exp3A {offsets = [8], sizes = [1], strides = [1]} : vector<16xf32> to vector<1xf32>
        %squeeze3A_143 = vector.extract %slice3A_142[0] : f32 from vector<1xf32>
        %broadcast_in_dim3A_144 = vector.broadcast %squeeze3A_141 : f32 to vector<16xf32>
        %broadcast_in_dim3A_145 = vector.broadcast %squeeze3A_143 : f32 to vector<16xf32>
        %select_n3A_146 = arith.select %lt3A_5, %broadcast_in_dim3A_144, %broadcast_in_dim3A_145 : vector<16xi1>, vector<16xf32>
        %get3A_147 = arith.index_cast %scan3A_62 : i32 to index
        %get3A_148 = arith.constant 64 : index
        %get3A_149 = tpu.vector_load %arg10[%get3A_147, %get3A_148] {strides = array<i32>} : memref<160x128xf32, #tpu.memory_space<vmem>>, vector<1x16xf32>,
        %get3A_150 = vector.shape_cast %get3A_149 : vector<1x16xf32> to vector<16xf32>
        %mul3A_151 = arith.mulf %select_n3A_146, %get3A_150 : vector<16xf32>
        %swap3A_152 = arith.index_cast %scan3A_62 : i32 to index
        %swap3A_153 = arith.constant 80 : index
        %swap3A_154 = tpu.vector_load %arg13[%swap3A_152, %swap3A_153] {strides = array<i32>} : memref<160x96xf32, #tpu.memory_space<vmem>>, vector<1x16xf32>,
        %swap3A_155 = vector.shape_cast %swap3A_154 : vector<1x16xf32> to vector<16xf32>
        %swap3A_156 = vector.shape_cast %mul3A_151 : vector<16xf32> to vector<1x16xf32>
        tpu.vector_store %arg13[%swap3A_152, %swap3A_153], %swap3A_156 {strides = array<i32>} : memref<160x96xf32, #tpu.memory_space<vmem>>, vector<1x16xf32>,
      }
      %scan3A_61 = arith.constant 160 : i32
      "tpu.region"() ({
        %run_scoped3A = tpu.sem_alloc : memref<!tpu.dma_semaphore, #tpu.memory_space<semaphore_mem>>
        %dma_start3A_62 = arith.constant 0 : i32
        %dma_start3A_63 = arith.constant 0 : i32
        %dma_start3A_64 = tpu.memref_slice %arg15[%dma_start3A_62, %dma_start3A_63] : memref<5008x96xf32, #tpu.memory_space<vmem_shared>> -> memref<5008x96xf32, #tpu.memory_space<vmem_shared>>
        tpu.enqueue_indirect_dma source(%arg13 : memref<160x96xf32, #tpu.memory_space<vmem>>) target(%dma_start3A_64 : memref<5008x96xf32, #tpu.memory_space<vmem_shared>>) offsets(%arg9 : memref<160xi32, #tpu.memory_space<vmem>>) semaphore(%run_scoped3A : memref<!tpu.dma_semaphore, #tpu.memory_space<semaphore_mem>>) {add = true}
        %dma_wait3A_65 = arith.constant 0 : i32
        %dma_wait3A_66 = arith.constant 0 : i32
        %dma_wait3A_67 = tpu.memref_slice %arg15[%dma_wait3A_65, %dma_wait3A_66] : memref<5008x96xf32, #tpu.memory_space<vmem_shared>> -> memref<5008x96xf32, #tpu.memory_space<vmem_shared>>
        tpu.wait_indirect_dma semaphore(%run_scoped3A : memref<!tpu.dma_semaphore, #tpu.memory_space<semaphore_mem>>) src(%arg13 : memref<160x96xf32, #tpu.memory_space<vmem>>) dst(%dma_wait3A_67 : memref<5008x96xf32, #tpu.memory_space<vmem_shared>>)
        tpu.yield
      }) : () -> ()
    }
    %scan3A_26 = arith.constant 125 : i32
    %barrier3A_27 = arith.constant 0 : index
    tpu.barrier barrier_id(%barrier3A_27)
    %mul3A_28 = arith.constant 312 : i32
    %mul3A_29 = arith.muli %arg1, %mul3A_28 : i32
    %mul3A_30 = arith.constant 5000 : i32
    %mul3A_31 = arith.muli %arg0, %mul3A_30 : i32
    %mul3A_32 = arith.constant 312 : i32
    %mul3A_33 = arith.muli %arg1, %mul3A_32 : i32
    %add3A = arith.addi %mul3A_31, %mul3A_33 : i32
    "tpu.region"() ({
      %run_scoped3A = tpu.sem_alloc : memref<!tpu.dma_semaphore, #tpu.memory_space<semaphore_mem>>
      %dma_start3A = arith.constant 0 : i32
      %dma_start3A_34 = tpu.memref_slice %arg7[%add3A, %dma_start3A] : memref<10000x96xf32, #tpu.memory_space<hbm>> -> memref<320x96xf32, #tpu.memory_space<hbm>>
      %dma_start3A_35 = arith.constant 0 : i32
      %dma_start3A_36 = tpu.memref_slice %arg15[%mul3A_29, %dma_start3A_35] : memref<5008x96xf32, #tpu.memory_space<vmem_shared>> -> memref<320x96xf32, #tpu.memory_space<vmem_shared>>
      tpu.enqueue_dma source(%dma_start3A_36 : memref<320x96xf32, #tpu.memory_space<vmem_shared>>) target(%dma_start3A_34 : memref<320x96xf32, #tpu.memory_space<hbm>>) target_semaphore(%run_scoped3A : memref<!tpu.dma_semaphore, #tpu.memory_space<semaphore_mem>>)
      %dma_wait3A = arith.constant 0 : i32
      %dma_wait3A_37 = tpu.memref_slice %arg7[%add3A, %dma_wait3A] : memref<10000x96xf32, #tpu.memory_space<hbm>> -> memref<320x96xf32, #tpu.memory_space<hbm>>
      %dma_wait3A_38 = arith.constant 0 : i32
      %dma_wait3A_39 = tpu.memref_slice %arg15[%mul3A_29, %dma_wait3A_38] : memref<5008x96xf32, #tpu.memory_space<vmem_shared>> -> memref<320x96xf32, #tpu.memory_space<vmem_shared>>
      tpu.wait_dma2 semaphore(%run_scoped3A : memref<!tpu.dma_semaphore, #tpu.memory_space<semaphore_mem>>) src(%dma_wait3A_39 : memref<320x96xf32, #tpu.memory_space<vmem_shared>>) dst(%dma_wait3A_37 : memref<320x96xf32, #tpu.memory_space<hbm>>)
      tpu.yield
    }) : () -> ()
    return
  }
}

#map = affine_map<(d0, d1) -> (0, 0)>
#map1 = affine_map<(d0, d1) -> (0)>
module attributes {stable_mosaic.version = 14 : i64} {
  func.func @edge_pass(%arg0: i32, %arg1: i32, %arg2: memref<10000x256xf32, #tpu.memory_space<hbm>>, %arg3: memref<10000x128xf32, #tpu.memory_space<hbm>>, %arg4: memref<320000x128xf32, #tpu.memory_space<hbm>>, %arg5: memref<320000xi32, #tpu.memory_space<hbm>>, %arg6: memref<320000xi32, #tpu.memory_space<hbm>>, %arg7: memref<10000x136xf32, #tpu.memory_space<hbm>>, %arg8: memref<80xi32, #tpu.memory_space<vmem>>, %arg9: memref<80xi32, #tpu.memory_space<vmem>>, %arg10: memref<80x256xf32, #tpu.memory_space<vmem>>, %arg11: memref<80x128xf32, #tpu.memory_space<vmem>>, %arg12: memref<80x128xf32, #tpu.memory_space<vmem>>, %arg13: memref<80x136xf32, #tpu.memory_space<vmem>>, %arg14: memref<80x136xf32, #tpu.memory_space<vmem>>, %arg15: memref<5008x136xf32, #tpu.memory_space<vmem_shared>>, %arg16: memref<!tpu.dma_semaphore, #tpu.memory_space<semaphore_mem>>, %arg17: memref<!tpu.dma_semaphore, #tpu.memory_space<semaphore_mem>>) attributes {dimension_semantics = [#tpu.dimension_semantics<core_parallel>, #tpu.dimension_semantics<subcore_parallel>], iteration_bounds = array<i64: 2, 16>, scalar_prefetch = 0 : i64, scratch_operands = 10 : i64, tpu.core_type = #tpu.core_type<sc_vector_subcore>, window_params = [{transform_indices = #map}, {transform_indices = #map}, {transform_indices = #map}, {transform_indices = #map1}, {transform_indices = #map1}, {transform_indices = #map}]} {
    %iota3A = tpu.iota {dimensions = array<i32: 0>} : vector<16xi32>
    %mul3A = arith.constant 0 : i32
    %mul3A_0 = vector.broadcast %mul3A : i32 to vector<16xi32>
    %mul3A_1 = arith.muli %iota3A, %mul3A_0 : vector<16xi32>
    %convert_element_type3A = arith.sitofp %mul3A_1 : vector<16xi32> to vector<16xf32>
    %mul3A_2 = arith.constant 5000 : i32
    %mul3A_3 = arith.muli %arg0, %mul3A_2 : i32
    %lt3A = arith.constant 8 : i32
    %lt3A_4 = vector.broadcast %lt3A : i32 to vector<16xi32>
    %lt3A_5 = arith.cmpi slt, %iota3A, %lt3A_4 : vector<16xi32>
    %eq3A = arith.constant 8 : i32
    %eq3A_6 = vector.broadcast %eq3A : i32 to vector<16xi32>
    %eq3A_7 = arith.cmpi eq, %iota3A, %eq3A_6 : vector<16xi32>
    %jit3A = arith.constant 1.000000e+00 : f32
    %jit3A_8 = arith.constant 0.000000e+00 : f32
    %broadcast_in_dim3A = vector.broadcast %jit3A : f32 to vector<16xf32>
    %broadcast_in_dim3A_9 = vector.broadcast %jit3A_8 : f32 to vector<16xf32>
    %select_n3A = arith.select %eq3A_7, %broadcast_in_dim3A, %broadcast_in_dim3A_9 : vector<16xi1>, vector<16xf32>
    %scan3A = arith.constant 0 : i32
    %scan3A_10 = arith.constant 0 : i32
    %scan3A_11 = arith.constant 80 : i32
    %scan3A_12 = arith.addi %scan3A_10, %scan3A_11 : i32
    %scan3A_13 = arith.constant 1 : i32
    scf.for %scan3A_34 = %scan3A_10 to %scan3A_12 step %scan3A_13  : i32 {
      %swap3A = arith.index_cast %scan3A_34 : i32 to index
      %swap3A_35 = arith.constant 0 : index
      %swap3A_36 = tpu.vector_load %arg14[%swap3A, %swap3A_35] {strides = array<i32>} : memref<80x136xf32, #tpu.memory_space<vmem>>, vector<1x16xf32>,
      %swap3A_37 = vector.shape_cast %swap3A_36 : vector<1x16xf32> to vector<16xf32>
      %swap3A_38 = vector.shape_cast %convert_element_type3A : vector<16xf32> to vector<1x16xf32>
      tpu.vector_store %arg14[%swap3A, %swap3A_35], %swap3A_38 {strides = array<i32>} : memref<80x136xf32, #tpu.memory_space<vmem>>, vector<1x16xf32>,
      %swap3A_39 = arith.index_cast %scan3A_34 : i32 to index
      %swap3A_40 = arith.constant 16 : index
      %swap3A_41 = tpu.vector_load %arg14[%swap3A_39, %swap3A_40] {strides = array<i32>} : memref<80x136xf32, #tpu.memory_space<vmem>>, vector<1x16xf32>,
      %swap3A_42 = vector.shape_cast %swap3A_41 : vector<1x16xf32> to vector<16xf32>
      %swap3A_43 = vector.shape_cast %convert_element_type3A : vector<16xf32> to vector<1x16xf32>
      tpu.vector_store %arg14[%swap3A_39, %swap3A_40], %swap3A_43 {strides = array<i32>} : memref<80x136xf32, #tpu.memory_space<vmem>>, vector<1x16xf32>,
      %swap3A_44 = arith.index_cast %scan3A_34 : i32 to index
      %swap3A_45 = arith.constant 32 : index
      %swap3A_46 = tpu.vector_load %arg14[%swap3A_44, %swap3A_45] {strides = array<i32>} : memref<80x136xf32, #tpu.memory_space<vmem>>, vector<1x16xf32>,
      %swap3A_47 = vector.shape_cast %swap3A_46 : vector<1x16xf32> to vector<16xf32>
      %swap3A_48 = vector.shape_cast %convert_element_type3A : vector<16xf32> to vector<1x16xf32>
      tpu.vector_store %arg14[%swap3A_44, %swap3A_45], %swap3A_48 {strides = array<i32>} : memref<80x136xf32, #tpu.memory_space<vmem>>, vector<1x16xf32>,
      %swap3A_49 = arith.index_cast %scan3A_34 : i32 to index
      %swap3A_50 = arith.constant 48 : index
      %swap3A_51 = tpu.vector_load %arg14[%swap3A_49, %swap3A_50] {strides = array<i32>} : memref<80x136xf32, #tpu.memory_space<vmem>>, vector<1x16xf32>,
      %swap3A_52 = vector.shape_cast %swap3A_51 : vector<1x16xf32> to vector<16xf32>
      %swap3A_53 = vector.shape_cast %convert_element_type3A : vector<16xf32> to vector<1x16xf32>
      tpu.vector_store %arg14[%swap3A_49, %swap3A_50], %swap3A_53 {strides = array<i32>} : memref<80x136xf32, #tpu.memory_space<vmem>>, vector<1x16xf32>,
      %swap3A_54 = arith.index_cast %scan3A_34 : i32 to index
      %swap3A_55 = arith.constant 64 : index
      %swap3A_56 = tpu.vector_load %arg14[%swap3A_54, %swap3A_55] {strides = array<i32>} : memref<80x136xf32, #tpu.memory_space<vmem>>, vector<1x16xf32>,
      %swap3A_57 = vector.shape_cast %swap3A_56 : vector<1x16xf32> to vector<16xf32>
      %swap3A_58 = vector.shape_cast %convert_element_type3A : vector<16xf32> to vector<1x16xf32>
      tpu.vector_store %arg14[%swap3A_54, %swap3A_55], %swap3A_58 {strides = array<i32>} : memref<80x136xf32, #tpu.memory_space<vmem>>, vector<1x16xf32>,
      %swap3A_59 = arith.index_cast %scan3A_34 : i32 to index
      %swap3A_60 = arith.constant 80 : index
      %swap3A_61 = tpu.vector_load %arg14[%swap3A_59, %swap3A_60] {strides = array<i32>} : memref<80x136xf32, #tpu.memory_space<vmem>>, vector<1x16xf32>,
      %swap3A_62 = vector.shape_cast %swap3A_61 : vector<1x16xf32> to vector<16xf32>
      %swap3A_63 = vector.shape_cast %convert_element_type3A : vector<16xf32> to vector<1x16xf32>
      tpu.vector_store %arg14[%swap3A_59, %swap3A_60], %swap3A_63 {strides = array<i32>} : memref<80x136xf32, #tpu.memory_space<vmem>>, vector<1x16xf32>,
      %swap3A_64 = arith.index_cast %scan3A_34 : i32 to index
      %swap3A_65 = arith.constant 96 : index
      %swap3A_66 = tpu.vector_load %arg14[%swap3A_64, %swap3A_65] {strides = array<i32>} : memref<80x136xf32, #tpu.memory_space<vmem>>, vector<1x16xf32>,
      %swap3A_67 = vector.shape_cast %swap3A_66 : vector<1x16xf32> to vector<16xf32>
      %swap3A_68 = vector.shape_cast %convert_element_type3A : vector<16xf32> to vector<1x16xf32>
      tpu.vector_store %arg14[%swap3A_64, %swap3A_65], %swap3A_68 {strides = array<i32>} : memref<80x136xf32, #tpu.memory_space<vmem>>, vector<1x16xf32>,
      %swap3A_69 = arith.index_cast %scan3A_34 : i32 to index
      %swap3A_70 = arith.constant 112 : index
      %swap3A_71 = tpu.vector_load %arg14[%swap3A_69, %swap3A_70] {strides = array<i32>} : memref<80x136xf32, #tpu.memory_space<vmem>>, vector<1x16xf32>,
      %swap3A_72 = vector.shape_cast %swap3A_71 : vector<1x16xf32> to vector<16xf32>
      %swap3A_73 = vector.shape_cast %convert_element_type3A : vector<16xf32> to vector<1x16xf32>
      tpu.vector_store %arg14[%swap3A_69, %swap3A_70], %swap3A_73 {strides = array<i32>} : memref<80x136xf32, #tpu.memory_space<vmem>>, vector<1x16xf32>,
    }
    %scan3A_14 = arith.constant 80 : i32
    %scan3A_15 = arith.constant 0 : i32
    %scan3A_16 = arith.constant 0 : i32
    %scan3A_17 = arith.constant 4 : i32
    %scan3A_18 = arith.addi %scan3A_16, %scan3A_17 : i32
    %scan3A_19 = arith.constant 1 : i32
    scf.for %scan3A_34 = %scan3A_16 to %scan3A_18 step %scan3A_19  : i32 {
      %mul3A_35 = arith.constant 312 : i32
      %mul3A_36 = arith.muli %arg1, %mul3A_35 : i32
      %mul3A_37 = arith.constant 80 : i32
      %mul3A_38 = arith.muli %scan3A_34, %mul3A_37 : i32
      %add3A_39 = arith.addi %mul3A_36, %mul3A_38 : i32
      "tpu.region"() ({
        %run_scoped3A = tpu.sem_alloc : memref<!tpu.dma_semaphore, #tpu.memory_space<semaphore_mem>>
        %dma_start3A = arith.constant 0 : i32
        %dma_start3A_40 = tpu.memref_slice %arg15[%add3A_39, %dma_start3A] : memref<5008x136xf32, #tpu.memory_space<vmem_shared>> -> memref<80x136xf32, #tpu.memory_space<vmem_shared>>
        %dma_start3A_41 = arith.constant 0 : i32
        %dma_start3A_42 = tpu.memref_slice %arg15[%add3A_39, %dma_start3A_41] : memref<5008x136xf32, #tpu.memory_space<vmem_shared>> -> memref<80x136xf32, #tpu.memory_space<vmem_shared>>
        tpu.enqueue_dma source(%arg14 : memref<80x136xf32, #tpu.memory_space<vmem>>) target(%dma_start3A_42 : memref<80x136xf32, #tpu.memory_space<vmem_shared>>) target_semaphore(%run_scoped3A : memref<!tpu.dma_semaphore, #tpu.memory_space<semaphore_mem>>)
        %dma_wait3A = arith.constant 0 : i32
        %dma_wait3A_43 = tpu.memref_slice %arg15[%add3A_39, %dma_wait3A] : memref<5008x136xf32, #tpu.memory_space<vmem_shared>> -> memref<80x136xf32, #tpu.memory_space<vmem_shared>>
        %dma_wait3A_44 = arith.constant 0 : i32
        %dma_wait3A_45 = tpu.memref_slice %arg15[%add3A_39, %dma_wait3A_44] : memref<5008x136xf32, #tpu.memory_space<vmem_shared>> -> memref<80x136xf32, #tpu.memory_space<vmem_shared>>
        tpu.wait_dma2 semaphore(%run_scoped3A : memref<!tpu.dma_semaphore, #tpu.memory_space<semaphore_mem>>) src(%arg14 : memref<80x136xf32, #tpu.memory_space<vmem>>) dst(%dma_wait3A_45 : memref<80x136xf32, #tpu.memory_space<vmem_shared>>)
        tpu.yield
      }) : () -> ()
    }
    %scan3A_20 = arith.constant 4 : i32
    %barrier3A = arith.constant 0 : index
    tpu.barrier barrier_id(%barrier3A)
    %scan3A_21 = arith.constant 0 : i32
    %scan3A_22 = arith.constant 0 : i32
    %scan3A_23 = arith.constant 250 : i32
    %scan3A_24 = arith.addi %scan3A_22, %scan3A_23 : i32
    %scan3A_25 = arith.constant 1 : i32
    scf.for %scan3A_34 = %scan3A_22 to %scan3A_24 step %scan3A_25  : i32 {
      %mul3A_35 = arith.constant 20000 : i32
      %mul3A_36 = arith.muli %arg1, %mul3A_35 : i32
      %mul3A_37 = arith.constant 80 : i32
      %mul3A_38 = arith.muli %scan3A_34, %mul3A_37 : i32
      %add3A_39 = arith.addi %mul3A_36, %mul3A_38 : i32
      "tpu.region"() ({
        %run_scoped3A = tpu.sem_alloc : memref<!tpu.dma_semaphore, #tpu.memory_space<semaphore_mem>>
        %dma_start3A_62 = tpu.memref_slice %arg5[%add3A_39] : memref<320000xi32, #tpu.memory_space<hbm>> -> memref<80xi32, #tpu.memory_space<hbm>>
        %dma_start3A_63 = tpu.memref_slice %arg5[%add3A_39] : memref<320000xi32, #tpu.memory_space<hbm>> -> memref<80xi32, #tpu.memory_space<hbm>>
        tpu.enqueue_dma source(%dma_start3A_63 : memref<80xi32, #tpu.memory_space<hbm>>) target(%arg8 : memref<80xi32, #tpu.memory_space<vmem>>) target_semaphore(%run_scoped3A : memref<!tpu.dma_semaphore, #tpu.memory_space<semaphore_mem>>)
        %dma_wait3A_64 = tpu.memref_slice %arg5[%add3A_39] : memref<320000xi32, #tpu.memory_space<hbm>> -> memref<80xi32, #tpu.memory_space<hbm>>
        %dma_wait3A_65 = tpu.memref_slice %arg5[%add3A_39] : memref<320000xi32, #tpu.memory_space<hbm>> -> memref<80xi32, #tpu.memory_space<hbm>>
        tpu.wait_dma2 semaphore(%run_scoped3A : memref<!tpu.dma_semaphore, #tpu.memory_space<semaphore_mem>>) src(%dma_wait3A_65 : memref<80xi32, #tpu.memory_space<hbm>>) dst(%arg8 : memref<80xi32, #tpu.memory_space<vmem>>)
        tpu.yield
      }) : () -> ()
      "tpu.region"() ({
        %run_scoped3A = tpu.sem_alloc : memref<!tpu.dma_semaphore, #tpu.memory_space<semaphore_mem>>
        %dma_start3A_62 = tpu.memref_slice %arg6[%add3A_39] : memref<320000xi32, #tpu.memory_space<hbm>> -> memref<80xi32, #tpu.memory_space<hbm>>
        %dma_start3A_63 = tpu.memref_slice %arg6[%add3A_39] : memref<320000xi32, #tpu.memory_space<hbm>> -> memref<80xi32, #tpu.memory_space<hbm>>
        tpu.enqueue_dma source(%dma_start3A_63 : memref<80xi32, #tpu.memory_space<hbm>>) target(%arg9 : memref<80xi32, #tpu.memory_space<vmem>>) target_semaphore(%run_scoped3A : memref<!tpu.dma_semaphore, #tpu.memory_space<semaphore_mem>>)
        %dma_wait3A_64 = tpu.memref_slice %arg6[%add3A_39] : memref<320000xi32, #tpu.memory_space<hbm>> -> memref<80xi32, #tpu.memory_space<hbm>>
        %dma_wait3A_65 = tpu.memref_slice %arg6[%add3A_39] : memref<320000xi32, #tpu.memory_space<hbm>> -> memref<80xi32, #tpu.memory_space<hbm>>
        tpu.wait_dma2 semaphore(%run_scoped3A : memref<!tpu.dma_semaphore, #tpu.memory_space<semaphore_mem>>) src(%dma_wait3A_65 : memref<80xi32, #tpu.memory_space<hbm>>) dst(%arg9 : memref<80xi32, #tpu.memory_space<vmem>>)
        tpu.yield
      }) : () -> ()
      %dma_start3A = arith.constant 0 : i32
      %dma_start3A_40 = arith.constant 0 : i32
      %dma_start3A_41 = tpu.memref_slice %arg2[%dma_start3A, %dma_start3A_40] : memref<10000x256xf32, #tpu.memory_space<hbm>> -> memref<10000x256xf32, #tpu.memory_space<hbm>>
      tpu.enqueue_indirect_dma source(%dma_start3A_41 : memref<10000x256xf32, #tpu.memory_space<hbm>>) target(%arg10 : memref<80x256xf32, #tpu.memory_space<vmem>>) offsets(%arg8 : memref<80xi32, #tpu.memory_space<vmem>>) semaphore(%arg16 : memref<!tpu.dma_semaphore, #tpu.memory_space<semaphore_mem>>)
      %dma_start3A_42 = arith.constant 0 : i32
      %dma_start3A_43 = arith.constant 0 : i32
      %dma_start3A_44 = tpu.memref_slice %arg3[%dma_start3A_42, %dma_start3A_43] : memref<10000x128xf32, #tpu.memory_space<hbm>> -> memref<10000x128xf32, #tpu.memory_space<hbm>>
      tpu.enqueue_indirect_dma source(%dma_start3A_44 : memref<10000x128xf32, #tpu.memory_space<hbm>>) target(%arg11 : memref<80x128xf32, #tpu.memory_space<vmem>>) offsets(%arg9 : memref<80xi32, #tpu.memory_space<vmem>>) semaphore(%arg17 : memref<!tpu.dma_semaphore, #tpu.memory_space<semaphore_mem>>)
      "tpu.region"() ({
        %run_scoped3A = tpu.sem_alloc : memref<!tpu.dma_semaphore, #tpu.memory_space<semaphore_mem>>
        %dma_start3A_62 = arith.constant 0 : i32
        %dma_start3A_63 = tpu.memref_slice %arg4[%add3A_39, %dma_start3A_62] : memref<320000x128xf32, #tpu.memory_space<hbm>> -> memref<80x128xf32, #tpu.memory_space<hbm>>
        %dma_start3A_64 = arith.constant 0 : i32
        %dma_start3A_65 = tpu.memref_slice %arg4[%add3A_39, %dma_start3A_64] : memref<320000x128xf32, #tpu.memory_space<hbm>> -> memref<80x128xf32, #tpu.memory_space<hbm>>
        tpu.enqueue_dma source(%dma_start3A_65 : memref<80x128xf32, #tpu.memory_space<hbm>>) target(%arg12 : memref<80x128xf32, #tpu.memory_space<vmem>>) target_semaphore(%run_scoped3A : memref<!tpu.dma_semaphore, #tpu.memory_space<semaphore_mem>>)
        %dma_wait3A_66 = arith.constant 0 : i32
        %dma_wait3A_67 = tpu.memref_slice %arg4[%add3A_39, %dma_wait3A_66] : memref<320000x128xf32, #tpu.memory_space<hbm>> -> memref<80x128xf32, #tpu.memory_space<hbm>>
        %dma_wait3A_68 = arith.constant 0 : i32
        %dma_wait3A_69 = tpu.memref_slice %arg4[%add3A_39, %dma_wait3A_68] : memref<320000x128xf32, #tpu.memory_space<hbm>> -> memref<80x128xf32, #tpu.memory_space<hbm>>
        tpu.wait_dma2 semaphore(%run_scoped3A : memref<!tpu.dma_semaphore, #tpu.memory_space<semaphore_mem>>) src(%dma_wait3A_69 : memref<80x128xf32, #tpu.memory_space<hbm>>) dst(%arg12 : memref<80x128xf32, #tpu.memory_space<vmem>>)
        tpu.yield
      }) : () -> ()
      %dma_wait3A = arith.constant 0 : i32
      %dma_wait3A_45 = arith.constant 0 : i32
      %dma_wait3A_46 = tpu.memref_slice %arg3[%dma_wait3A, %dma_wait3A_45] : memref<10000x128xf32, #tpu.memory_space<hbm>> -> memref<10000x128xf32, #tpu.memory_space<hbm>>
      tpu.wait_indirect_dma semaphore(%arg17 : memref<!tpu.dma_semaphore, #tpu.memory_space<semaphore_mem>>) src(%dma_wait3A_46 : memref<10000x128xf32, #tpu.memory_space<hbm>>) dst(%arg11 : memref<80x128xf32, #tpu.memory_space<vmem>>)
      %dma_wait3A_47 = arith.constant 0 : i32
      %dma_wait3A_48 = arith.constant 0 : i32
      %dma_wait3A_49 = tpu.memref_slice %arg2[%dma_wait3A_47, %dma_wait3A_48] : memref<10000x256xf32, #tpu.memory_space<hbm>> -> memref<10000x256xf32, #tpu.memory_space<hbm>>
      tpu.wait_indirect_dma semaphore(%arg16 : memref<!tpu.dma_semaphore, #tpu.memory_space<semaphore_mem>>) src(%dma_wait3A_49 : memref<10000x256xf32, #tpu.memory_space<hbm>>) dst(%arg10 : memref<80x256xf32, #tpu.memory_space<vmem>>)
      %scan3A_50 = arith.constant 0 : i32
      %scan3A_51 = arith.constant 0 : i32
      %scan3A_52 = arith.constant 5 : i32
      %scan3A_53 = arith.addi %scan3A_51, %scan3A_52 : i32
      %scan3A_54 = arith.constant 1 : i32
      scf.for %scan3A_62 = %scan3A_51 to %scan3A_53 step %scan3A_54  : i32 {
        %mul3A_63 = arith.constant 16 : i32
        %mul3A_64 = arith.muli %scan3A_62, %mul3A_63 : i32
        %get3A = arith.index_cast %mul3A_64 : i32 to index
        %get3A_65 = tpu.vector_load %arg9[%get3A] {strides = array<i32>} : memref<80xi32, #tpu.memory_space<vmem>>, vector<16xi32>,
        %get3A_66 = vector.shape_cast %get3A_65 : vector<16xi32> to vector<16xi32>
        %sub3A = vector.broadcast %mul3A_3 : i32 to vector<16xi32>
        %sub3A_67 = arith.subi %get3A_66, %sub3A : vector<16xi32>
        %lt3A_68 = arith.constant 0 : i32
        %lt3A_69 = vector.broadcast %lt3A_68 : i32 to vector<16xi32>
        %lt3A_70 = arith.cmpi slt, %sub3A_67, %lt3A_69 : vector<16xi32>
        %ge3A = arith.constant 5000 : i32
        %ge3A_71 = vector.broadcast %ge3A : i32 to vector<16xi32>
        %ge3A_72 = arith.cmpi sge, %sub3A_67, %ge3A_71 : vector<16xi32>
        %or3A = arith.ori %lt3A_70, %ge3A_72 : vector<16xi1>
        %jit3A_73 = arith.constant 5000 : i32
        %broadcast_in_dim3A_74 = vector.broadcast %jit3A_73 : i32 to vector<16xi32>
        %select_n3A_75 = arith.select %or3A, %broadcast_in_dim3A_74, %sub3A_67 : vector<16xi1>, vector<16xi32>
        %mul3A_76 = arith.constant 16 : i32
        %mul3A_77 = arith.muli %scan3A_62, %mul3A_76 : i32
        %swap3A = arith.index_cast %mul3A_77 : i32 to index
        %swap3A_78 = tpu.vector_load %arg9[%swap3A] {strides = array<i32>} : memref<80xi32, #tpu.memory_space<vmem>>, vector<16xi32>,
        %swap3A_79 = vector.shape_cast %swap3A_78 : vector<16xi32> to vector<16xi32>
        %swap3A_80 = vector.shape_cast %select_n3A_75 : vector<16xi32> to vector<16xi32>
        tpu.vector_store %arg9[%swap3A], %swap3A_80 {strides = array<i32>} : memref<80xi32, #tpu.memory_space<vmem>>, vector<16xi32>,
      }
      %scan3A_55 = arith.constant 5 : i32
      %scan3A_56 = arith.constant 0 : i32
      %scan3A_57 = arith.constant 0 : i32
      %scan3A_58 = arith.constant 80 : i32
      %scan3A_59 = arith.addi %scan3A_57, %scan3A_58 : i32
      %scan3A_60 = arith.constant 1 : i32
      scf.for %scan3A_62 = %scan3A_57 to %scan3A_59 step %scan3A_60  : i32 {
        %get3A = arith.index_cast %scan3A_62 : i32 to index
        %get3A_63 = arith.constant 0 : index
        %get3A_64 = tpu.vector_load %arg10[%get3A, %get3A_63] {strides = array<i32>} : memref<80x256xf32, #tpu.memory_space<vmem>>, vector<1x16xf32>,
        %get3A_65 = vector.shape_cast %get3A_64 : vector<1x16xf32> to vector<16xf32>
        %get3A_66 = arith.index_cast %scan3A_62 : i32 to index
        %get3A_67 = arith.constant 0 : index
        %get3A_68 = tpu.vector_load %arg11[%get3A_66, %get3A_67] {strides = array<i32>} : memref<80x128xf32, #tpu.memory_space<vmem>>, vector<1x16xf32>,
        %get3A_69 = vector.shape_cast %get3A_68 : vector<1x16xf32> to vector<16xf32>
        %get3A_70 = arith.index_cast %scan3A_62 : i32 to index
        %get3A_71 = arith.constant 16 : index
        %get3A_72 = tpu.vector_load %arg12[%get3A_70, %get3A_71] {strides = array<i32>} : memref<80x128xf32, #tpu.memory_space<vmem>>, vector<1x16xf32>,
        %get3A_73 = vector.shape_cast %get3A_72 : vector<1x16xf32> to vector<16xf32>
        %add3A_74 = arith.addf %get3A_65, %get3A_69 : vector<16xf32>
        %add3A_75 = arith.addf %add3A_74, %get3A_73 : vector<16xf32>
        %gt3A = arith.constant 0.000000e+00 : f32
        %gt3A_76 = vector.broadcast %gt3A : f32 to vector<16xf32>
        %gt3A_77 = arith.cmpf ogt, %add3A_75, %gt3A_76 : vector<16xf32>
        %mul3A_78 = arith.constant 2.000000e-01 : f32
        %mul3A_79 = vector.broadcast %mul3A_78 : f32 to vector<16xf32>
        %mul3A_80 = arith.mulf %mul3A_79, %add3A_75 : vector<16xf32>
        %select_n3A_81 = arith.select %gt3A_77, %add3A_75, %mul3A_80 : vector<16xi1>, vector<16xf32>
        %exp3A = math.exp %select_n3A_81 : vector<16xf32>
        %slice3A = vector.extract_strided_slice %exp3A {offsets = [1], sizes = [1], strides = [1]} : vector<16xf32> to vector<1xf32>
        %squeeze3A = vector.extract %slice3A[0] : f32 from vector<1xf32>
        %get3A_82 = arith.index_cast %scan3A_62 : i32 to index
        %get3A_83 = arith.constant 16 : index
        %get3A_84 = tpu.vector_load %arg10[%get3A_82, %get3A_83] {strides = array<i32>} : memref<80x256xf32, #tpu.memory_space<vmem>>, vector<1x16xf32>,
        %get3A_85 = vector.shape_cast %get3A_84 : vector<1x16xf32> to vector<16xf32>
        %mul3A_86 = vector.broadcast %squeeze3A : f32 to vector<16xf32>
        %mul3A_87 = arith.mulf %get3A_85, %mul3A_86 : vector<16xf32>
        %swap3A = arith.index_cast %scan3A_62 : i32 to index
        %swap3A_88 = arith.constant 0 : index
        %swap3A_89 = tpu.vector_load %arg13[%swap3A, %swap3A_88] {strides = array<i32>} : memref<80x136xf32, #tpu.memory_space<vmem>>, vector<1x16xf32>,
        %swap3A_90 = vector.shape_cast %swap3A_89 : vector<1x16xf32> to vector<16xf32>
        %swap3A_91 = vector.shape_cast %mul3A_87 : vector<16xf32> to vector<1x16xf32>
        tpu.vector_store %arg13[%swap3A, %swap3A_88], %swap3A_91 {strides = array<i32>} : memref<80x136xf32, #tpu.memory_space<vmem>>, vector<1x16xf32>,
        %get3A_92 = arith.index_cast %scan3A_62 : i32 to index
        %get3A_93 = arith.constant 32 : index
        %get3A_94 = tpu.vector_load %arg10[%get3A_92, %get3A_93] {strides = array<i32>} : memref<80x256xf32, #tpu.memory_space<vmem>>, vector<1x16xf32>,
        %get3A_95 = vector.shape_cast %get3A_94 : vector<1x16xf32> to vector<16xf32>
        %mul3A_96 = vector.broadcast %squeeze3A : f32 to vector<16xf32>
        %mul3A_97 = arith.mulf %get3A_95, %mul3A_96 : vector<16xf32>
        %swap3A_98 = arith.index_cast %scan3A_62 : i32 to index
        %swap3A_99 = arith.constant 16 : index
        %swap3A_100 = tpu.vector_load %arg13[%swap3A_98, %swap3A_99] {strides = array<i32>} : memref<80x136xf32, #tpu.memory_space<vmem>>, vector<1x16xf32>,
        %swap3A_101 = vector.shape_cast %swap3A_100 : vector<1x16xf32> to vector<16xf32>
        %swap3A_102 = vector.shape_cast %mul3A_97 : vector<16xf32> to vector<1x16xf32>
        tpu.vector_store %arg13[%swap3A_98, %swap3A_99], %swap3A_102 {strides = array<i32>} : memref<80x136xf32, #tpu.memory_space<vmem>>, vector<1x16xf32>,
        %get3A_103 = arith.index_cast %scan3A_62 : i32 to index
        %get3A_104 = arith.constant 48 : index
        %get3A_105 = tpu.vector_load %arg10[%get3A_103, %get3A_104] {strides = array<i32>} : memref<80x256xf32, #tpu.memory_space<vmem>>, vector<1x16xf32>,
        %get3A_106 = vector.shape_cast %get3A_105 : vector<1x16xf32> to vector<16xf32>
        %mul3A_107 = vector.broadcast %squeeze3A : f32 to vector<16xf32>
        %mul3A_108 = arith.mulf %get3A_106, %mul3A_107 : vector<16xf32>
        %swap3A_109 = arith.index_cast %scan3A_62 : i32 to index
        %swap3A_110 = arith.constant 32 : index
        %swap3A_111 = tpu.vector_load %arg13[%swap3A_109, %swap3A_110] {strides = array<i32>} : memref<80x136xf32, #tpu.memory_space<vmem>>, vector<1x16xf32>,
        %swap3A_112 = vector.shape_cast %swap3A_111 : vector<1x16xf32> to vector<16xf32>
        %swap3A_113 = vector.shape_cast %mul3A_108 : vector<16xf32> to vector<1x16xf32>
        tpu.vector_store %arg13[%swap3A_109, %swap3A_110], %swap3A_113 {strides = array<i32>} : memref<80x136xf32, #tpu.memory_space<vmem>>, vector<1x16xf32>,
        %get3A_114 = arith.index_cast %scan3A_62 : i32 to index
        %get3A_115 = arith.constant 64 : index
        %get3A_116 = tpu.vector_load %arg10[%get3A_114, %get3A_115] {strides = array<i32>} : memref<80x256xf32, #tpu.memory_space<vmem>>, vector<1x16xf32>,
        %get3A_117 = vector.shape_cast %get3A_116 : vector<1x16xf32> to vector<16xf32>
        %mul3A_118 = vector.broadcast %squeeze3A : f32 to vector<16xf32>
        %mul3A_119 = arith.mulf %get3A_117, %mul3A_118 : vector<16xf32>
        %swap3A_120 = arith.index_cast %scan3A_62 : i32 to index
        %swap3A_121 = arith.constant 48 : index
        %swap3A_122 = tpu.vector_load %arg13[%swap3A_120, %swap3A_121] {strides = array<i32>} : memref<80x136xf32, #tpu.memory_space<vmem>>, vector<1x16xf32>,
        %swap3A_123 = vector.shape_cast %swap3A_122 : vector<1x16xf32> to vector<16xf32>
        %swap3A_124 = vector.shape_cast %mul3A_119 : vector<16xf32> to vector<1x16xf32>
        tpu.vector_store %arg13[%swap3A_120, %swap3A_121], %swap3A_124 {strides = array<i32>} : memref<80x136xf32, #tpu.memory_space<vmem>>, vector<1x16xf32>,
        %get3A_125 = arith.index_cast %scan3A_62 : i32 to index
        %get3A_126 = arith.constant 80 : index
        %get3A_127 = tpu.vector_load %arg10[%get3A_125, %get3A_126] {strides = array<i32>} : memref<80x256xf32, #tpu.memory_space<vmem>>, vector<1x16xf32>,
        %get3A_128 = vector.shape_cast %get3A_127 : vector<1x16xf32> to vector<16xf32>
        %mul3A_129 = vector.broadcast %squeeze3A : f32 to vector<16xf32>
        %mul3A_130 = arith.mulf %get3A_128, %mul3A_129 : vector<16xf32>
        %swap3A_131 = arith.index_cast %scan3A_62 : i32 to index
        %swap3A_132 = arith.constant 64 : index
        %swap3A_133 = tpu.vector_load %arg13[%swap3A_131, %swap3A_132] {strides = array<i32>} : memref<80x136xf32, #tpu.memory_space<vmem>>, vector<1x16xf32>,
        %swap3A_134 = vector.shape_cast %swap3A_133 : vector<1x16xf32> to vector<16xf32>
        %swap3A_135 = vector.shape_cast %mul3A_130 : vector<16xf32> to vector<1x16xf32>
        tpu.vector_store %arg13[%swap3A_131, %swap3A_132], %swap3A_135 {strides = array<i32>} : memref<80x136xf32, #tpu.memory_space<vmem>>, vector<1x16xf32>,
        %get3A_136 = arith.index_cast %scan3A_62 : i32 to index
        %get3A_137 = arith.constant 96 : index
        %get3A_138 = tpu.vector_load %arg10[%get3A_136, %get3A_137] {strides = array<i32>} : memref<80x256xf32, #tpu.memory_space<vmem>>, vector<1x16xf32>,
        %get3A_139 = vector.shape_cast %get3A_138 : vector<1x16xf32> to vector<16xf32>
        %mul3A_140 = vector.broadcast %squeeze3A : f32 to vector<16xf32>
        %mul3A_141 = arith.mulf %get3A_139, %mul3A_140 : vector<16xf32>
        %swap3A_142 = arith.index_cast %scan3A_62 : i32 to index
        %swap3A_143 = arith.constant 80 : index
        %swap3A_144 = tpu.vector_load %arg13[%swap3A_142, %swap3A_143] {strides = array<i32>} : memref<80x136xf32, #tpu.memory_space<vmem>>, vector<1x16xf32>,
        %swap3A_145 = vector.shape_cast %swap3A_144 : vector<1x16xf32> to vector<16xf32>
        %swap3A_146 = vector.shape_cast %mul3A_141 : vector<16xf32> to vector<1x16xf32>
        tpu.vector_store %arg13[%swap3A_142, %swap3A_143], %swap3A_146 {strides = array<i32>} : memref<80x136xf32, #tpu.memory_space<vmem>>, vector<1x16xf32>,
        %get3A_147 = arith.index_cast %scan3A_62 : i32 to index
        %get3A_148 = arith.constant 112 : index
        %get3A_149 = tpu.vector_load %arg10[%get3A_147, %get3A_148] {strides = array<i32>} : memref<80x256xf32, #tpu.memory_space<vmem>>, vector<1x16xf32>,
        %get3A_150 = vector.shape_cast %get3A_149 : vector<1x16xf32> to vector<16xf32>
        %mul3A_151 = vector.broadcast %squeeze3A : f32 to vector<16xf32>
        %mul3A_152 = arith.mulf %get3A_150, %mul3A_151 : vector<16xf32>
        %swap3A_153 = arith.index_cast %scan3A_62 : i32 to index
        %swap3A_154 = arith.constant 96 : index
        %swap3A_155 = tpu.vector_load %arg13[%swap3A_153, %swap3A_154] {strides = array<i32>} : memref<80x136xf32, #tpu.memory_space<vmem>>, vector<1x16xf32>,
        %swap3A_156 = vector.shape_cast %swap3A_155 : vector<1x16xf32> to vector<16xf32>
        %swap3A_157 = vector.shape_cast %mul3A_152 : vector<16xf32> to vector<1x16xf32>
        tpu.vector_store %arg13[%swap3A_153, %swap3A_154], %swap3A_157 {strides = array<i32>} : memref<80x136xf32, #tpu.memory_space<vmem>>, vector<1x16xf32>,
        %get3A_158 = arith.index_cast %scan3A_62 : i32 to index
        %get3A_159 = arith.constant 128 : index
        %get3A_160 = tpu.vector_load %arg10[%get3A_158, %get3A_159] {strides = array<i32>} : memref<80x256xf32, #tpu.memory_space<vmem>>, vector<1x16xf32>,
        %get3A_161 = vector.shape_cast %get3A_160 : vector<1x16xf32> to vector<16xf32>
        %mul3A_162 = vector.broadcast %squeeze3A : f32 to vector<16xf32>
        %mul3A_163 = arith.mulf %get3A_161, %mul3A_162 : vector<16xf32>
        %swap3A_164 = arith.index_cast %scan3A_62 : i32 to index
        %swap3A_165 = arith.constant 112 : index
        %swap3A_166 = tpu.vector_load %arg13[%swap3A_164, %swap3A_165] {strides = array<i32>} : memref<80x136xf32, #tpu.memory_space<vmem>>, vector<1x16xf32>,
        %swap3A_167 = vector.shape_cast %swap3A_166 : vector<1x16xf32> to vector<16xf32>
        %swap3A_168 = vector.shape_cast %mul3A_163 : vector<16xf32> to vector<1x16xf32>
        tpu.vector_store %arg13[%swap3A_164, %swap3A_165], %swap3A_168 {strides = array<i32>} : memref<80x136xf32, #tpu.memory_space<vmem>>, vector<1x16xf32>,
        %get3A_169 = arith.index_cast %scan3A_62 : i32 to index
        %get3A_170 = arith.constant 136 : index
        %get3A_171 = tpu.vector_load %arg10[%get3A_169, %get3A_170] {strides = array<i32>} : memref<80x256xf32, #tpu.memory_space<vmem>>, vector<1x16xf32>,
        %get3A_172 = vector.shape_cast %get3A_171 : vector<1x16xf32> to vector<16xf32>
        %add3A_173 = arith.addf %get3A_172, %select_n3A : vector<16xf32>
        %mul3A_174 = vector.broadcast %squeeze3A : f32 to vector<16xf32>
        %mul3A_175 = arith.mulf %add3A_173, %mul3A_174 : vector<16xf32>
        %swap3A_176 = arith.index_cast %scan3A_62 : i32 to index
        %swap3A_177 = arith.constant 120 : index
        %swap3A_178 = tpu.vector_load %arg13[%swap3A_176, %swap3A_177] {strides = array<i32>} : memref<80x136xf32, #tpu.memory_space<vmem>>, vector<1x16xf32>,
        %swap3A_179 = vector.shape_cast %swap3A_178 : vector<1x16xf32> to vector<16xf32>
        %swap3A_180 = vector.shape_cast %mul3A_175 : vector<16xf32> to vector<1x16xf32>
        tpu.vector_store %arg13[%swap3A_176, %swap3A_177], %swap3A_180 {strides = array<i32>} : memref<80x136xf32, #tpu.memory_space<vmem>>, vector<1x16xf32>,
      }
      %scan3A_61 = arith.constant 80 : i32
      "tpu.region"() ({
        %run_scoped3A = tpu.sem_alloc : memref<!tpu.dma_semaphore, #tpu.memory_space<semaphore_mem>>
        %dma_start3A_62 = arith.constant 0 : i32
        %dma_start3A_63 = arith.constant 0 : i32
        %dma_start3A_64 = tpu.memref_slice %arg15[%dma_start3A_62, %dma_start3A_63] : memref<5008x136xf32, #tpu.memory_space<vmem_shared>> -> memref<5008x136xf32, #tpu.memory_space<vmem_shared>>
        tpu.enqueue_indirect_dma source(%arg13 : memref<80x136xf32, #tpu.memory_space<vmem>>) target(%dma_start3A_64 : memref<5008x136xf32, #tpu.memory_space<vmem_shared>>) offsets(%arg9 : memref<80xi32, #tpu.memory_space<vmem>>) semaphore(%run_scoped3A : memref<!tpu.dma_semaphore, #tpu.memory_space<semaphore_mem>>) {add = true}
        %dma_wait3A_65 = arith.constant 0 : i32
        %dma_wait3A_66 = arith.constant 0 : i32
        %dma_wait3A_67 = tpu.memref_slice %arg15[%dma_wait3A_65, %dma_wait3A_66] : memref<5008x136xf32, #tpu.memory_space<vmem_shared>> -> memref<5008x136xf32, #tpu.memory_space<vmem_shared>>
        tpu.wait_indirect_dma semaphore(%run_scoped3A : memref<!tpu.dma_semaphore, #tpu.memory_space<semaphore_mem>>) src(%arg13 : memref<80x136xf32, #tpu.memory_space<vmem>>) dst(%dma_wait3A_67 : memref<5008x136xf32, #tpu.memory_space<vmem_shared>>)
        tpu.yield
      }) : () -> ()
    }
    %scan3A_26 = arith.constant 250 : i32
    %barrier3A_27 = arith.constant 0 : index
    tpu.barrier barrier_id(%barrier3A_27)
    %mul3A_28 = arith.constant 312 : i32
    %mul3A_29 = arith.muli %arg1, %mul3A_28 : i32
    %mul3A_30 = arith.constant 5000 : i32
    %mul3A_31 = arith.muli %arg0, %mul3A_30 : i32
    %mul3A_32 = arith.constant 312 : i32
    %mul3A_33 = arith.muli %arg1, %mul3A_32 : i32
    %add3A = arith.addi %mul3A_31, %mul3A_33 : i32
    "tpu.region"() ({
      %run_scoped3A = tpu.sem_alloc : memref<!tpu.dma_semaphore, #tpu.memory_space<semaphore_mem>>
      %dma_start3A = arith.constant 0 : i32
      %dma_start3A_34 = tpu.memref_slice %arg7[%add3A, %dma_start3A] : memref<10000x136xf32, #tpu.memory_space<hbm>> -> memref<320x136xf32, #tpu.memory_space<hbm>>
      %dma_start3A_35 = arith.constant 0 : i32
      %dma_start3A_36 = tpu.memref_slice %arg15[%mul3A_29, %dma_start3A_35] : memref<5008x136xf32, #tpu.memory_space<vmem_shared>> -> memref<320x136xf32, #tpu.memory_space<vmem_shared>>
      tpu.enqueue_dma source(%dma_start3A_36 : memref<320x136xf32, #tpu.memory_space<vmem_shared>>) target(%dma_start3A_34 : memref<320x136xf32, #tpu.memory_space<hbm>>) target_semaphore(%run_scoped3A : memref<!tpu.dma_semaphore, #tpu.memory_space<semaphore_mem>>)
      %dma_wait3A = arith.constant 0 : i32
      %dma_wait3A_37 = tpu.memref_slice %arg7[%add3A, %dma_wait3A] : memref<10000x136xf32, #tpu.memory_space<hbm>> -> memref<320x136xf32, #tpu.memory_space<hbm>>
      %dma_wait3A_38 = arith.constant 0 : i32
      %dma_wait3A_39 = tpu.memref_slice %arg15[%mul3A_29, %dma_wait3A_38] : memref<5008x136xf32, #tpu.memory_space<vmem_shared>> -> memref<320x136xf32, #tpu.memory_space<vmem_shared>>
      tpu.wait_dma2 semaphore(%run_scoped3A : memref<!tpu.dma_semaphore, #tpu.memory_space<semaphore_mem>>) src(%dma_wait3A_39 : memref<320x136xf32, #tpu.memory_space<vmem_shared>>) dst(%dma_wait3A_37 : memref<320x136xf32, #tpu.memory_space<hbm>>)
      tpu.yield
    }) : () -> ()
    return
  }
}

module attributes {stable_mosaic.version = 14 : i64} {
  func.func @body(%arg0: i32, %arg1: memref<2000x16xf32, #tpu.memory_space<vmem>>, %arg2: memref<16x64xf32, #tpu.memory_space<vmem>>, %arg3: memref<8x8xf32, #tpu.memory_space<vmem>>, %arg4: memref<16x128xf32, #tpu.memory_space<vmem>>, %arg5: memref<128x1xf32, #tpu.memory_space<vmem>>, %arg6: memref<2000x128xf32, #tpu.memory_space<vmem>>) attributes {dimension_semantics = [#tpu.dimension_semantics<arbitrary>], iteration_bounds = array<i64: 160>, scalar_prefetch = 0 : i64, scratch_operands = 0 : i64, tpu.core_type = #tpu.core_type<tc>, window_params = [{transform_indices = @transform_0, window_bounds = array<i64: 2000, 16>}, {pipeline_mode = #tpu.pipeline_mode<synchronous>, transform_indices = @transform_1, window_bounds = array<i64: 16, 64>}, {pipeline_mode = #tpu.pipeline_mode<synchronous>, transform_indices = @transform_2, window_bounds = array<i64: 8, 8>}, {pipeline_mode = #tpu.pipeline_mode<synchronous>, transform_indices = @transform_3, window_bounds = array<i64: 16, 128>}, {pipeline_mode = #tpu.pipeline_mode<synchronous>, transform_indices = @transform_4, window_bounds = array<i64: 128, 1>}, {transform_indices = @transform_5, window_bounds = array<i64: 2000, 128>}]} {
    %get3A = arith.constant 0 : index
    %get3A_0 = arith.constant 0 : index
    %get3A_1 = vector.load %arg2[%get3A, %get3A_0] : memref<16x64xf32, #tpu.memory_space<vmem>>, vector<16x64xf32>
    %reshape3A = vector.shape_cast %get3A_1 : vector<16x64xf32> to vector<16x8x8xf32>
    %get3A_2 = arith.constant 0 : index
    %get3A_3 = arith.constant 0 : index
    %get3A_4 = vector.load %arg3[%get3A_2, %get3A_3] : memref<8x8xf32, #tpu.memory_space<vmem>>, vector<8x8xf32>
    %broadcast_in_dim3A = vector.shape_cast %get3A_4 : vector<8x8xf32> to vector<1x8x8xf32>
    %mul3A = vector.broadcast %broadcast_in_dim3A : vector<1x8x8xf32> to vector<16x8x8xf32>
    %mul3A_5 = arith.mulf %reshape3A, %mul3A : vector<16x8x8xf32>
    %reduce_sum3A = arith.constant dense<0.000000e+00> : vector<16x8xf32>
    %reduce_sum3A_6 = vector.multi_reduction <add>, %mul3A_5, %reduce_sum3A [2] : vector<16x8x8xf32> to vector<16x8xf32>
    %get3A_7 = arith.constant 0 : index
    %get3A_8 = arith.constant 0 : index
    %get3A_9 = vector.load %arg4[%get3A_7, %get3A_8] : memref<16x128xf32, #tpu.memory_space<vmem>>, vector<16x128xf32>
    %get3A_10 = arith.constant 0 : index
    %get3A_11 = arith.constant 0 : index
    %get3A_12 = vector.load %arg5[%get3A_10, %get3A_11] : memref<128x1xf32, #tpu.memory_space<vmem>>, vector<128x1xf32>
    %dot_general3A = arith.constant dense<0.000000e+00> : vector<16x1xf32>
    %dot_general3A_13 = tpu.matmul %get3A_9, %get3A_12, %dot_general3A {dimension_numbers = #tpu.dot_dimension_numbers<[1], [0], [0], [1], [0, 0, 1, 1], [], []>, transpose_lhs_hint = false} : vector<16x128xf32>, vector<128x1xf32>, vector<16x1xf32> -> vector<16x1xf32>
    %get3A_14 = arith.constant 0 : index
    %get3A_15 = arith.constant 0 : index
    %get3A_16 = vector.load %arg1[%get3A_14, %get3A_15] : memref<2000x16xf32, #tpu.memory_space<vmem>>, vector<2000x16xf32>
    %dot_general3A_17 = arith.constant dense<0.000000e+00> : vector<2000x8xf32>
    %dot_general3A_18 = tpu.matmul %get3A_16, %reduce_sum3A_6, %dot_general3A_17 {dimension_numbers = #tpu.dot_dimension_numbers<[1], [0], [0], [1], [0, 0, 1, 1], [], []>, transpose_lhs_hint = false} : vector<2000x16xf32>, vector<16x8xf32>, vector<2000x8xf32> -> vector<2000x8xf32>
    %dot_general3A_19 = arith.constant dense<0.000000e+00> : vector<2000x1xf32>
    %dot_general3A_20 = tpu.matmul %get3A_16, %dot_general3A_13, %dot_general3A_19 {dimension_numbers = #tpu.dot_dimension_numbers<[1], [0], [0], [1], [0, 0, 1, 1], [], []>, transpose_lhs_hint = false} : vector<2000x16xf32>, vector<16x1xf32>, vector<2000x1xf32> -> vector<2000x1xf32>
    %broadcast_in_dim3A_21 = arith.constant 1.000000e+00 : f32
    %broadcast_in_dim3A_22 = vector.broadcast %broadcast_in_dim3A_21 : f32 to vector<2000x1xf32>
    %broadcast_in_dim3A_23 = arith.constant 0.000000e+00 : f32
    %broadcast_in_dim3A_24 = vector.broadcast %broadcast_in_dim3A_23 : f32 to vector<2000x1xf32>
    %broadcast_in_dim3A_25 = arith.constant 0.000000e+00 : f32
    %broadcast_in_dim3A_26 = vector.broadcast %broadcast_in_dim3A_25 : f32 to vector<2000x6xf32>
    %broadcast_in_dim3A_27 = arith.constant 0.000000e+00 : f32
    %broadcast_in_dim3A_28 = vector.broadcast %broadcast_in_dim3A_27 : f32 to vector<2000x14xf32>
    %broadcast_in_dim3A_29 = arith.constant 0.000000e+00 : f32
    %broadcast_in_dim3A_30 = vector.broadcast %broadcast_in_dim3A_29 : f32 to vector<2000x96xf32>
    %concatenate3A = tpu.concatenate %broadcast_in_dim3A_22, %dot_general3A_18, %dot_general3A_20, %broadcast_in_dim3A_26, %broadcast_in_dim3A_24, %dot_general3A_20, %broadcast_in_dim3A_28, %broadcast_in_dim3A_30 in 1 : vector<2000x1xf32>, vector<2000x8xf32>, vector<2000x1xf32>, vector<2000x6xf32>, vector<2000x1xf32>, vector<2000x1xf32>, vector<2000x14xf32>, vector<2000x96xf32> -> vector<2000x128xf32>
    %swap3A = arith.constant 0 : index
    %swap3A_31 = arith.constant 0 : index
    %swap3A_32 = vector.load %arg6[%swap3A, %swap3A_31] : memref<2000x128xf32, #tpu.memory_space<vmem>>, vector<2000x128xf32>
    tpu.vector_store %arg6[%swap3A, %swap3A_31], %concatenate3A {strides = array<i32>} : memref<2000x128xf32, #tpu.memory_space<vmem>>, vector<2000x128xf32>,
    return
  }
  func.func @transform_0(%arg0: i32) -> (i32, i32) {
    %c0_i32 = arith.constant 0 : i32
    %c0_i32_0 = arith.constant 0 : i32
    return %arg0, %c0_i32 : i32, i32
  }
  func.func @transform_1(%arg0: i32) -> (i32, i32) {
    %c0_i32 = arith.constant 0 : i32
    %c0_i32_0 = arith.constant 0 : i32
    %c0_i32_1 = arith.constant 0 : i32
    return %c0_i32, %c0_i32_0 : i32, i32
  }
  func.func @transform_2(%arg0: i32) -> (i32, i32) {
    %c0_i32 = arith.constant 0 : i32
    %c0_i32_0 = arith.constant 0 : i32
    %c0_i32_1 = arith.constant 0 : i32
    return %c0_i32, %c0_i32_0 : i32, i32
  }
  func.func @transform_3(%arg0: i32) -> (i32, i32) {
    %c0_i32 = arith.constant 0 : i32
    %c0_i32_0 = arith.constant 0 : i32
    %c0_i32_1 = arith.constant 0 : i32
    return %c0_i32, %c0_i32_0 : i32, i32
  }
  func.func @transform_4(%arg0: i32) -> (i32, i32) {
    %c0_i32 = arith.constant 0 : i32
    %c0_i32_0 = arith.constant 0 : i32
    %c0_i32_1 = arith.constant 0 : i32
    return %c0_i32, %c0_i32_0 : i32, i32
  }
  func.func @transform_5(%arg0: i32) -> (i32, i32) {
    %c0_i32 = arith.constant 0 : i32
    %c0_i32_0 = arith.constant 0 : i32
    return %arg0, %c0_i32 : i32, i32
  }
}

module attributes {stable_mosaic.version = 14 : i64} {
  func.func @body(%arg0: i32, %arg1: memref<1000x128xf32, #tpu.memory_space<vmem>>, %arg2: memref<128x64xf32, #tpu.memory_space<vmem>>, %arg3: memref<8x8xf32, #tpu.memory_space<vmem>>, %arg4: memref<8x8xf32, #tpu.memory_space<vmem>>, %arg5: memref<1000x128xf32, #tpu.memory_space<vmem>>) attributes {dimension_semantics = [#tpu.dimension_semantics<arbitrary>], iteration_bounds = array<i64: 10>, scalar_prefetch = 0 : i64, scratch_operands = 0 : i64, tpu.core_type = #tpu.core_type<tc>, window_params = [{transform_indices = @transform_0, window_bounds = array<i64: 1000, 128>}, {pipeline_mode = #tpu.pipeline_mode<synchronous>, transform_indices = @transform_1, window_bounds = array<i64: 128, 64>}, {pipeline_mode = #tpu.pipeline_mode<synchronous>, transform_indices = @transform_2, window_bounds = array<i64: 8, 8>}, {pipeline_mode = #tpu.pipeline_mode<synchronous>, transform_indices = @transform_3, window_bounds = array<i64: 8, 8>}, {transform_indices = @transform_4, window_bounds = array<i64: 1000, 128>}]} {
    %get3A = arith.constant 0 : index
    %get3A_0 = arith.constant 0 : index
    %get3A_1 = vector.load %arg1[%get3A, %get3A_0] : memref<1000x128xf32, #tpu.memory_space<vmem>>, vector<1000x128xf32>
    %get3A_2 = arith.constant 0 : index
    %get3A_3 = arith.constant 0 : index
    %get3A_4 = vector.load %arg2[%get3A_2, %get3A_3] : memref<128x64xf32, #tpu.memory_space<vmem>>, vector<128x64xf32>
    %dot_general3A = arith.constant dense<0.000000e+00> : vector<1000x64xf32>
    %dot_general3A_5 = tpu.matmul %get3A_1, %get3A_4, %dot_general3A {dimension_numbers = #tpu.dot_dimension_numbers<[1], [0], [0], [1], [0, 0, 1, 1], [], []>, transpose_lhs_hint = false} : vector<1000x128xf32>, vector<128x64xf32>, vector<1000x64xf32> -> vector<1000x64xf32>
    %reshape3A = vector.shape_cast %dot_general3A_5 : vector<1000x64xf32> to vector<1000x8x8xf32>
    %get3A_6 = arith.constant 0 : index
    %get3A_7 = arith.constant 0 : index
    %get3A_8 = vector.load %arg3[%get3A_6, %get3A_7] : memref<8x8xf32, #tpu.memory_space<vmem>>, vector<8x8xf32>
    %broadcast_in_dim3A = vector.shape_cast %get3A_8 : vector<8x8xf32> to vector<1x8x8xf32>
    %mul3A = vector.broadcast %broadcast_in_dim3A : vector<1x8x8xf32> to vector<1000x8x8xf32>
    %mul3A_9 = arith.mulf %reshape3A, %mul3A : vector<1000x8x8xf32>
    %reduce_sum3A = arith.constant dense<0.000000e+00> : vector<1000x8xf32>
    %reduce_sum3A_10 = vector.multi_reduction <add>, %mul3A_9, %reduce_sum3A [2] : vector<1000x8x8xf32> to vector<1000x8xf32>
    %get3A_11 = arith.constant 0 : index
    %get3A_12 = arith.constant 0 : index
    %get3A_13 = vector.load %arg4[%get3A_11, %get3A_12] : memref<8x8xf32, #tpu.memory_space<vmem>>, vector<8x8xf32>
    %broadcast_in_dim3A_14 = vector.shape_cast %get3A_13 : vector<8x8xf32> to vector<1x8x8xf32>
    %mul3A_15 = vector.broadcast %broadcast_in_dim3A_14 : vector<1x8x8xf32> to vector<1000x8x8xf32>
    %mul3A_16 = arith.mulf %reshape3A, %mul3A_15 : vector<1000x8x8xf32>
    %reduce_sum3A_17 = arith.constant dense<0.000000e+00> : vector<1000x8xf32>
    %reduce_sum3A_18 = vector.multi_reduction <add>, %mul3A_16, %reduce_sum3A_17 [2] : vector<1000x8x8xf32> to vector<1000x8xf32>
    %broadcast_in_dim3A_19 = arith.constant 0.000000e+00 : f32
    %broadcast_in_dim3A_20 = vector.broadcast %broadcast_in_dim3A_19 : f32 to vector<1000x1xf32>
    %broadcast_in_dim3A_21 = arith.constant 0.000000e+00 : f32
    %broadcast_in_dim3A_22 = vector.broadcast %broadcast_in_dim3A_21 : f32 to vector<1000x7xf32>
    %broadcast_in_dim3A_23 = arith.constant 0.000000e+00 : f32
    %broadcast_in_dim3A_24 = vector.broadcast %broadcast_in_dim3A_23 : f32 to vector<1000x32xf32>
    %concatenate3A = tpu.concatenate %broadcast_in_dim3A_20, %reduce_sum3A_10, %broadcast_in_dim3A_22, %dot_general3A_5, %broadcast_in_dim3A_24, %broadcast_in_dim3A_20, %reduce_sum3A_18, %broadcast_in_dim3A_22 in 1 : vector<1000x1xf32>, vector<1000x8xf32>, vector<1000x7xf32>, vector<1000x64xf32>, vector<1000x32xf32>, vector<1000x1xf32>, vector<1000x8xf32>, vector<1000x7xf32> -> vector<1000x128xf32>
    %swap3A = arith.constant 0 : index
    %swap3A_25 = arith.constant 0 : index
    %swap3A_26 = vector.load %arg5[%swap3A, %swap3A_25] : memref<1000x128xf32, #tpu.memory_space<vmem>>, vector<1000x128xf32>
    tpu.vector_store %arg5[%swap3A, %swap3A_25], %concatenate3A {strides = array<i32>} : memref<1000x128xf32, #tpu.memory_space<vmem>>, vector<1000x128xf32>,
    return
  }
  func.func @transform_0(%arg0: i32) -> (i32, i32) {
    %c0_i32 = arith.constant 0 : i32
    %c0_i32_0 = arith.constant 0 : i32
    return %arg0, %c0_i32 : i32, i32
  }
  func.func @transform_1(%arg0: i32) -> (i32, i32) {
    %c0_i32 = arith.constant 0 : i32
    %c0_i32_0 = arith.constant 0 : i32
    %c0_i32_1 = arith.constant 0 : i32
    return %c0_i32, %c0_i32_0 : i32, i32
  }
  func.func @transform_2(%arg0: i32) -> (i32, i32) {
    %c0_i32 = arith.constant 0 : i32
    %c0_i32_0 = arith.constant 0 : i32
    %c0_i32_1 = arith.constant 0 : i32
    return %c0_i32, %c0_i32_0 : i32, i32
  }
  func.func @transform_3(%arg0: i32) -> (i32, i32) {
    %c0_i32 = arith.constant 0 : i32
    %c0_i32_0 = arith.constant 0 : i32
    %c0_i32_1 = arith.constant 0 : i32
    return %c0_i32, %c0_i32_0 : i32, i32
  }
  func.func @transform_4(%arg0: i32) -> (i32, i32) {
    %c0_i32 = arith.constant 0 : i32
    %c0_i32_0 = arith.constant 0 : i32
    return %arg0, %c0_i32 : i32, i32
  }
}

module attributes {stable_mosaic.version = 14 : i64} {
  func.func @body(%arg0: i32, %arg1: memref<1000x96xf32, #tpu.memory_space<vmem>>, %arg2: memref<1000x128xf32, #tpu.memory_space<vmem>>, %arg3: memref<64x128xf32, #tpu.memory_space<vmem>>, %arg4: memref<128x1xf32, #tpu.memory_space<vmem>>, %arg5: memref<128x1xf32, #tpu.memory_space<vmem>>, %arg6: memref<1x64xf32, #tpu.memory_space<vmem>>, %arg7: memref<1000x256xf32, #tpu.memory_space<vmem>>, %arg8: memref<1000x128xf32, #tpu.memory_space<vmem>>, %arg9: memref<1000x8xf32, #tpu.memory_space<vmem>>) attributes {dimension_semantics = [#tpu.dimension_semantics<arbitrary>], iteration_bounds = array<i64: 10>, scalar_prefetch = 0 : i64, scratch_operands = 0 : i64, tpu.core_type = #tpu.core_type<tc>, window_params = [{transform_indices = @transform_0, window_bounds = array<i64: 1000, 96>}, {transform_indices = @transform_1, window_bounds = array<i64: 1000, 128>}, {pipeline_mode = #tpu.pipeline_mode<synchronous>, transform_indices = @transform_2, window_bounds = array<i64: 64, 128>}, {pipeline_mode = #tpu.pipeline_mode<synchronous>, transform_indices = @transform_3, window_bounds = array<i64: 128, 1>}, {pipeline_mode = #tpu.pipeline_mode<synchronous>, transform_indices = @transform_4, window_bounds = array<i64: 128, 1>}, {pipeline_mode = #tpu.pipeline_mode<synchronous>, transform_indices = @transform_5, window_bounds = array<i64: 1, 64>}, {transform_indices = @transform_6, window_bounds = array<i64: 1000, 256>}, {transform_indices = @transform_7, window_bounds = array<i64: 1000, 128>}, {transform_indices = @transform_8, window_bounds = array<i64: 1000, 8>}]} {
    %get3A = arith.constant 0 : index
    %get3A_0 = arith.constant 0 : index
    %get3A_1 = vector.load %arg1[%get3A, %get3A_0] : memref<1000x96xf32, #tpu.memory_space<vmem>>, vector<1000x96xf32>
    %slice3A = vector.extract_strided_slice %get3A_1 {offsets = [0, 0], sizes = [1000, 1], strides = [1, 1]} : vector<1000x96xf32> to vector<1000x1xf32>
    %max3A = arith.constant 1.000000e+00 : f32
    %max3A_2 = vector.broadcast %max3A : f32 to vector<1000x1xf32>
    %max3A_3 = arith.maximumf %slice3A, %max3A_2 : vector<1000x1xf32>
    %slice3A_4 = vector.extract_strided_slice %get3A_1 {offsets = [0, 1], sizes = [1000, 8], strides = [1, 1]} : vector<1000x96xf32> to vector<1000x8xf32>
    %div3A = vector.broadcast %max3A_3 : vector<1000x1xf32> to vector<1000x8xf32>
    %div3A_5 = arith.divf %slice3A_4, %div3A : vector<1000x8xf32>
    %slice3A_6 = vector.extract_strided_slice %get3A_1 {offsets = [0, 9], sizes = [1000, 1], strides = [1, 1]} : vector<1000x96xf32> to vector<1000x1xf32>
    %div3A_7 = arith.divf %slice3A_6, %max3A_3 : vector<1000x1xf32>
    %get3A_8 = arith.constant 0 : index
    %get3A_9 = arith.constant 0 : index
    %get3A_10 = vector.load %arg2[%get3A_8, %get3A_9] : memref<1000x128xf32, #tpu.memory_space<vmem>>, vector<1000x128xf32>
    %slice3A_11 = vector.extract_strided_slice %get3A_10 {offsets = [0, 1], sizes = [1000, 8], strides = [1, 1]} : vector<1000x128xf32> to vector<1000x8xf32>
    %slice3A_12 = vector.extract_strided_slice %get3A_10 {offsets = [0, 16], sizes = [1000, 64], strides = [1, 1]} : vector<1000x128xf32> to vector<1000x64xf32>
    %slice3A_13 = vector.extract_strided_slice %get3A_10 {offsets = [0, 113], sizes = [1000, 8], strides = [1, 1]} : vector<1000x128xf32> to vector<1000x8xf32>
    %add3A = arith.addf %slice3A_11, %slice3A_13 : vector<1000x8xf32>
    %add3A_14 = arith.addf %add3A, %div3A_5 : vector<1000x8xf32>
    %gt3A = arith.constant 0.000000e+00 : f32
    %gt3A_15 = vector.broadcast %gt3A : f32 to vector<1000x8xf32>
    %gt3A_16 = arith.cmpf ogt, %add3A_14, %gt3A_15 : vector<1000x8xf32>
    %mul3A = arith.constant 2.000000e-01 : f32
    %mul3A_17 = vector.broadcast %mul3A : f32 to vector<1000x8xf32>
    %mul3A_18 = arith.mulf %mul3A_17, %add3A_14 : vector<1000x8xf32>
    %select_n3A = arith.select %gt3A_16, %add3A_14, %mul3A_18 : vector<1000x8xi1>, vector<1000x8xf32>
    %exp3A = math.exp %select_n3A : vector<1000x8xf32>
    %slice3A_19 = vector.extract_strided_slice %get3A_1 {offsets = [0, 17], sizes = [1000, 8], strides = [1, 1]} : vector<1000x96xf32> to vector<1000x8xf32>
    %add3A_20 = arith.addf %slice3A_19, %exp3A : vector<1000x8xf32>
    %add3A_21 = arith.constant 1.000000e-16 : f32
    %add3A_22 = vector.broadcast %add3A_21 : f32 to vector<1000x8xf32>
    %add3A_23 = arith.addf %add3A_20, %add3A_22 : vector<1000x8xf32>
    %reshape3A = vector.shape_cast %slice3A_12 : vector<1000x64xf32> to vector<1000x8x8xf32>
    %slice3A_24 = vector.extract_strided_slice %get3A_1 {offsets = [0, 32], sizes = [1000, 64], strides = [1, 1]} : vector<1000x96xf32> to vector<1000x64xf32>
    %reshape3A_25 = vector.shape_cast %slice3A_24 : vector<1000x64xf32> to vector<1000x8x8xf32>
    %broadcast_in_dim3A = vector.shape_cast %exp3A : vector<1000x8xf32> to vector<1000x8x1xf32>
    %mul3A_26 = vector.broadcast %broadcast_in_dim3A : vector<1000x8x1xf32> to vector<1000x8x8xf32>
    %mul3A_27 = arith.mulf %mul3A_26, %reshape3A : vector<1000x8x8xf32>
    %add3A_28 = arith.addf %reshape3A_25, %mul3A_27 : vector<1000x8x8xf32>
    %broadcast_in_dim3A_29 = vector.shape_cast %add3A_23 : vector<1000x8xf32> to vector<1000x8x1xf32>
    %div3A_30 = vector.broadcast %broadcast_in_dim3A_29 : vector<1000x8x1xf32> to vector<1000x8x8xf32>
    %div3A_31 = arith.divf %add3A_28, %div3A_30 : vector<1000x8x8xf32>
    %reshape3A_32 = vector.shape_cast %div3A_31 : vector<1000x8x8xf32> to vector<1000x64xf32>
    %get3A_33 = arith.constant 0 : index
    %get3A_34 = arith.constant 0 : index
    %get3A_35 = vector.load %arg6[%get3A_33, %get3A_34] : memref<1x64xf32, #tpu.memory_space<vmem>>, vector<1x64xf32>
    %add3A_36 = vector.broadcast %get3A_35 : vector<1x64xf32> to vector<1000x64xf32>
    %add3A_37 = arith.addf %reshape3A_32, %add3A_36 : vector<1000x64xf32>
    %gt3A_38 = arith.constant 0.000000e+00 : f32
    %gt3A_39 = vector.broadcast %gt3A_38 : f32 to vector<1000x64xf32>
    %gt3A_40 = arith.cmpf ogt, %add3A_37, %gt3A_39 : vector<1000x64xf32>
    %exp3A_41 = math.exp %add3A_37 : vector<1000x64xf32>
    %sub3A = arith.constant 1.000000e+00 : f32
    %sub3A_42 = vector.broadcast %sub3A : f32 to vector<1000x64xf32>
    %sub3A_43 = arith.subf %exp3A_41, %sub3A_42 : vector<1000x64xf32>
    %select_n3A_44 = arith.select %gt3A_40, %add3A_37, %sub3A_43 : vector<1000x64xi1>, vector<1000x64xf32>
    %get3A_45 = arith.constant 0 : index
    %get3A_46 = arith.constant 0 : index
    %get3A_47 = vector.load %arg3[%get3A_45, %get3A_46] : memref<64x128xf32, #tpu.memory_space<vmem>>, vector<64x128xf32>
    %dot_general3A = arith.constant dense<0.000000e+00> : vector<1000x128xf32>
    %dot_general3A_48 = tpu.matmul %select_n3A_44, %get3A_47, %dot_general3A {dimension_numbers = #tpu.dot_dimension_numbers<[1], [0], [0], [1], [0, 0, 1, 1], [], []>, transpose_lhs_hint = false} : vector<1000x64xf32>, vector<64x128xf32>, vector<1000x128xf32> -> vector<1000x128xf32>
    %get3A_49 = arith.constant 0 : index
    %get3A_50 = arith.constant 0 : index
    %get3A_51 = vector.load %arg4[%get3A_49, %get3A_50] : memref<128x1xf32, #tpu.memory_space<vmem>>, vector<128x1xf32>
    %dot_general3A_52 = arith.constant dense<0.000000e+00> : vector<1000x1xf32>
    %dot_general3A_53 = tpu.matmul %dot_general3A_48, %get3A_51, %dot_general3A_52 {dimension_numbers = #tpu.dot_dimension_numbers<[1], [0], [0], [1], [0, 0, 1, 1], [], []>, transpose_lhs_hint = false} : vector<1000x128xf32>, vector<128x1xf32>, vector<1000x1xf32> -> vector<1000x1xf32>
    %get3A_54 = arith.constant 0 : index
    %get3A_55 = arith.constant 0 : index
    %get3A_56 = vector.load %arg5[%get3A_54, %get3A_55] : memref<128x1xf32, #tpu.memory_space<vmem>>, vector<128x1xf32>
    %dot_general3A_57 = arith.constant dense<0.000000e+00> : vector<1000x1xf32>
    %dot_general3A_58 = tpu.matmul %dot_general3A_48, %get3A_56, %dot_general3A_57 {dimension_numbers = #tpu.dot_dimension_numbers<[1], [0], [0], [1], [0, 0, 1, 1], [], []>, transpose_lhs_hint = false} : vector<1000x128xf32>, vector<128x1xf32>, vector<1000x1xf32> -> vector<1000x1xf32>
    %broadcast_in_dim3A_59 = arith.constant 0.000000e+00 : f32
    %broadcast_in_dim3A_60 = vector.broadcast %broadcast_in_dim3A_59 : f32 to vector<1000x1xf32>
    %broadcast_in_dim3A_61 = arith.constant 0.000000e+00 : f32
    %broadcast_in_dim3A_62 = vector.broadcast %broadcast_in_dim3A_61 : f32 to vector<1000x14xf32>
    %broadcast_in_dim3A_63 = arith.constant 0.000000e+00 : f32
    %broadcast_in_dim3A_64 = vector.broadcast %broadcast_in_dim3A_63 : f32 to vector<1000x112xf32>
    %broadcast_in_dim3A_65 = arith.constant 0.000000e+00 : f32
    %broadcast_in_dim3A_66 = vector.broadcast %broadcast_in_dim3A_65 : f32 to vector<1000x126xf32>
    %concatenate3A = tpu.concatenate %broadcast_in_dim3A_60, %dot_general3A_53, %broadcast_in_dim3A_62, %dot_general3A_48, %broadcast_in_dim3A_64 in 1 : vector<1000x1xf32>, vector<1000x1xf32>, vector<1000x14xf32>, vector<1000x128xf32>, vector<1000x112xf32> -> vector<1000x256xf32>
    %swap3A = arith.constant 0 : index
    %swap3A_67 = arith.constant 0 : index
    %swap3A_68 = vector.load %arg7[%swap3A, %swap3A_67] : memref<1000x256xf32, #tpu.memory_space<vmem>>, vector<1000x256xf32>
    tpu.vector_store %arg7[%swap3A, %swap3A_67], %concatenate3A {strides = array<i32>} : memref<1000x256xf32, #tpu.memory_space<vmem>>, vector<1000x256xf32>,
    %concatenate3A_69 = tpu.concatenate %broadcast_in_dim3A_60, %dot_general3A_58, %broadcast_in_dim3A_66 in 1 : vector<1000x1xf32>, vector<1000x1xf32>, vector<1000x126xf32> -> vector<1000x128xf32>
    %swap3A_70 = arith.constant 0 : index
    %swap3A_71 = arith.constant 0 : index
    %swap3A_72 = vector.load %arg8[%swap3A_70, %swap3A_71] : memref<1000x128xf32, #tpu.memory_space<vmem>>, vector<1000x128xf32>
    tpu.vector_store %arg8[%swap3A_70, %swap3A_71], %concatenate3A_69 {strides = array<i32>} : memref<1000x128xf32, #tpu.memory_space<vmem>>, vector<1000x128xf32>,
    %add3A_73 = arith.addf %dot_general3A_53, %dot_general3A_58 : vector<1000x1xf32>
    %add3A_74 = arith.addf %add3A_73, %div3A_7 : vector<1000x1xf32>
    %gt3A_75 = arith.constant 0.000000e+00 : f32
    %gt3A_76 = vector.broadcast %gt3A_75 : f32 to vector<1000x1xf32>
    %gt3A_77 = arith.cmpf ogt, %add3A_74, %gt3A_76 : vector<1000x1xf32>
    %mul3A_78 = arith.constant 2.000000e-01 : f32
    %mul3A_79 = vector.broadcast %mul3A_78 : f32 to vector<1000x1xf32>
    %mul3A_80 = arith.mulf %mul3A_79, %add3A_74 : vector<1000x1xf32>
    %select_n3A_81 = arith.select %gt3A_77, %add3A_74, %mul3A_80 : vector<1000x1xi1>, vector<1000x1xf32>
    %exp3A_82 = math.exp %select_n3A_81 : vector<1000x1xf32>
    %broadcast_in_dim3A_83 = arith.constant 0.000000e+00 : f32
    %broadcast_in_dim3A_84 = vector.broadcast %broadcast_in_dim3A_83 : f32 to vector<1000x7xf32>
    %concatenate3A_85 = tpu.concatenate %exp3A_82, %broadcast_in_dim3A_84 in 1 : vector<1000x1xf32>, vector<1000x7xf32> -> vector<1000x8xf32>
    %swap3A_86 = arith.constant 0 : index
    %swap3A_87 = arith.constant 0 : index
    %swap3A_88 = vector.load %arg9[%swap3A_86, %swap3A_87] : memref<1000x8xf32, #tpu.memory_space<vmem>>, vector<1000x8xf32>
    tpu.vector_store %arg9[%swap3A_86, %swap3A_87], %concatenate3A_85 {strides = array<i32>} : memref<1000x8xf32, #tpu.memory_space<vmem>>, vector<1000x8xf32>,
    return
  }
  func.func @transform_0(%arg0: i32) -> (i32, i32) {
    %c0_i32 = arith.constant 0 : i32
    %c0_i32_0 = arith.constant 0 : i32
    return %arg0, %c0_i32 : i32, i32
  }
  func.func @transform_1(%arg0: i32) -> (i32, i32) {
    %c0_i32 = arith.constant 0 : i32
    %c0_i32_0 = arith.constant 0 : i32
    return %arg0, %c0_i32 : i32, i32
  }
  func.func @transform_2(%arg0: i32) -> (i32, i32) {
    %c0_i32 = arith.constant 0 : i32
    %c0_i32_0 = arith.constant 0 : i32
    %c0_i32_1 = arith.constant 0 : i32
    return %c0_i32, %c0_i32_0 : i32, i32
  }
  func.func @transform_3(%arg0: i32) -> (i32, i32) {
    %c0_i32 = arith.constant 0 : i32
    %c0_i32_0 = arith.constant 0 : i32
    %c0_i32_1 = arith.constant 0 : i32
    return %c0_i32, %c0_i32_0 : i32, i32
  }
  func.func @transform_4(%arg0: i32) -> (i32, i32) {
    %c0_i32 = arith.constant 0 : i32
    %c0_i32_0 = arith.constant 0 : i32
    %c0_i32_1 = arith.constant 0 : i32
    return %c0_i32, %c0_i32_0 : i32, i32
  }
  func.func @transform_5(%arg0: i32) -> (i32, i32) {
    %c0_i32 = arith.constant 0 : i32
    %c0_i32_0 = arith.constant 0 : i32
    %c0_i32_1 = arith.constant 0 : i32
    return %c0_i32, %c0_i32_0 : i32, i32
  }
  func.func @transform_6(%arg0: i32) -> (i32, i32) {
    %c0_i32 = arith.constant 0 : i32
    %c0_i32_0 = arith.constant 0 : i32
    return %arg0, %c0_i32 : i32, i32
  }
  func.func @transform_7(%arg0: i32) -> (i32, i32) {
    %c0_i32 = arith.constant 0 : i32
    %c0_i32_0 = arith.constant 0 : i32
    return %arg0, %c0_i32 : i32, i32
  }
  func.func @transform_8(%arg0: i32) -> (i32, i32) {
    %c0_i32 = arith.constant 0 : i32
    %c0_i32_0 = arith.constant 0 : i32
    return %arg0, %c0_i32 : i32, i32
  }
}

module attributes {stable_mosaic.version = 14 : i64} {
  func.func @body(%arg0: i32, %arg1: memref<1000x136xf32, #tpu.memory_space<vmem>>, %arg2: memref<1000x256xf32, #tpu.memory_space<vmem>>, %arg3: memref<1000x8xf32, #tpu.memory_space<vmem>>, %arg4: memref<1x128xf32, #tpu.memory_space<vmem>>, %arg5: memref<1x1x1000xi32, #tpu.memory_space<vmem>>, %arg6: memref<64x128xf32, #tpu.memory_space<vmem>>, %arg7: memref<64x8xf32, #tpu.memory_space<vmem>>) attributes {dimension_semantics = [#tpu.dimension_semantics<arbitrary>], iteration_bounds = array<i64: 10>, scalar_prefetch = 0 : i64, scratch_operands = 0 : i64, tpu.core_type = #tpu.core_type<tc>, window_params = [{transform_indices = @transform_0, window_bounds = array<i64: 1000, 136>}, {transform_indices = @transform_1, window_bounds = array<i64: 1000, 256>}, {transform_indices = @transform_2, window_bounds = array<i64: 1000, 8>}, {pipeline_mode = #tpu.pipeline_mode<synchronous>, transform_indices = @transform_3, window_bounds = array<i64: 1, 128>}, {transform_indices = @transform_4, window_bounds = array<i64: 1, 1, 1000>}, {pipeline_mode = #tpu.pipeline_mode<synchronous>, transform_indices = @transform_5, window_bounds = array<i64: 64, 128>}, {pipeline_mode = #tpu.pipeline_mode<synchronous>, transform_indices = @transform_6, window_bounds = array<i64: 64, 8>}]} {
    %get3A = arith.constant 0 : index
    %get3A_0 = arith.constant 0 : index
    %get3A_1 = vector.load %arg1[%get3A, %get3A_0] : memref<1000x136xf32, #tpu.memory_space<vmem>>, vector<1000x136xf32>
    %get3A_2 = arith.constant 0 : index
    %get3A_3 = arith.constant 0 : index
    %get3A_4 = vector.load %arg3[%get3A_2, %get3A_3] : memref<1000x8xf32, #tpu.memory_space<vmem>>, vector<1000x8xf32>
    %slice3A = vector.extract_strided_slice %get3A_4 {offsets = [0, 0], sizes = [1000, 1], strides = [1, 1]} : vector<1000x8xf32> to vector<1000x1xf32>
    %get3A_5 = arith.constant 0 : index
    %get3A_6 = arith.constant 0 : index
    %get3A_7 = vector.load %arg2[%get3A_5, %get3A_6] : memref<1000x256xf32, #tpu.memory_space<vmem>>, vector<1000x256xf32>
    %slice3A_8 = vector.extract_strided_slice %get3A_7 {offsets = [0, 16], sizes = [1000, 128], strides = [1, 1]} : vector<1000x256xf32> to vector<1000x128xf32>
    %slice3A_9 = vector.extract_strided_slice %get3A_1 {offsets = [0, 128], sizes = [1000, 1], strides = [1, 1]} : vector<1000x136xf32> to vector<1000x1xf32>
    %add3A = arith.addf %slice3A_9, %slice3A : vector<1000x1xf32>
    %add3A_10 = arith.constant 1.000000e-16 : f32
    %add3A_11 = vector.broadcast %add3A_10 : f32 to vector<1000x1xf32>
    %add3A_12 = arith.addf %add3A, %add3A_11 : vector<1000x1xf32>
    %slice3A_13 = vector.extract_strided_slice %get3A_1 {offsets = [0, 0], sizes = [1000, 128], strides = [1, 1]} : vector<1000x136xf32> to vector<1000x128xf32>
    %mul3A = vector.broadcast %slice3A : vector<1000x1xf32> to vector<1000x128xf32>
    %mul3A_14 = arith.mulf %mul3A, %slice3A_8 : vector<1000x128xf32>
    %add3A_15 = arith.addf %slice3A_13, %mul3A_14 : vector<1000x128xf32>
    %div3A = vector.broadcast %add3A_12 : vector<1000x1xf32> to vector<1000x128xf32>
    %div3A_16 = arith.divf %add3A_15, %div3A : vector<1000x128xf32>
    %get3A_17 = arith.constant 0 : index
    %get3A_18 = arith.constant 0 : index
    %get3A_19 = vector.load %arg4[%get3A_17, %get3A_18] : memref<1x128xf32, #tpu.memory_space<vmem>>, vector<1x128xf32>
    %add3A_20 = vector.broadcast %get3A_19 : vector<1x128xf32> to vector<1000x128xf32>
    %add3A_21 = arith.addf %div3A_16, %add3A_20 : vector<1000x128xf32>
    %iota3A = tpu.iota {dimensions = array<i32: 0>} : vector<64x1000xi32>
    %get3A_22 = arith.constant 0 : index
    %get3A_23 = arith.constant 0 : index
    %get3A_24 = arith.constant 0 : index
    %get3A_25 = vector.load %arg5[%get3A_22, %get3A_23, %get3A_24] : memref<1x1x1000xi32, #tpu.memory_space<vmem>>, vector<1x1x1000xi32>
    %get3A_26 = vector.shape_cast %get3A_25 : vector<1x1x1000xi32> to vector<1x1000xi32>
    %eq3A = vector.broadcast %get3A_26 : vector<1x1000xi32> to vector<64x1000xi32>
    %eq3A_27 = arith.cmpi eq, %eq3A, %iota3A : vector<64x1000xi32>
    %convert_element_type3A = arith.extui %eq3A_27 : vector<64x1000xi1> to vector<64x1000xi32>
    %convert_element_type3A_28 = arith.sitofp %convert_element_type3A : vector<64x1000xi32> to vector<64x1000xf32>
    %dot_general3A = arith.constant dense<0.000000e+00> : vector<64x128xf32>
    %dot_general3A_29 = tpu.matmul %convert_element_type3A_28, %add3A_21, %dot_general3A {dimension_numbers = #tpu.dot_dimension_numbers<[1], [0], [0], [1], [0, 0, 1, 1], [], []>, transpose_lhs_hint = false} : vector<64x1000xf32>, vector<1000x128xf32>, vector<64x128xf32> -> vector<64x128xf32>
    %reduce_sum3A = arith.constant dense<0.000000e+00> : vector<64xf32>
    %reduce_sum3A_30 = vector.multi_reduction <add>, %convert_element_type3A_28, %reduce_sum3A [1] : vector<64x1000xf32> to vector<64xf32>
    %broadcast_in_dim3A = vector.shape_cast %reduce_sum3A_30 : vector<64xf32> to vector<64x1xf32>
    %broadcast_in_dim3A_31 = arith.constant 0.000000e+00 : f32
    %broadcast_in_dim3A_32 = vector.broadcast %broadcast_in_dim3A_31 : f32 to vector<64x7xf32>
    %concatenate3A = tpu.concatenate %broadcast_in_dim3A, %broadcast_in_dim3A_32 in 1 : vector<64x1xf32>, vector<64x7xf32> -> vector<64x8xf32>
    %eq3A_33 = arith.constant 0 : i32
    %eq3A_34 = arith.cmpi eq, %arg0, %eq3A_33 : i32
    %convert_element_type3A_35 = arith.extui %eq3A_34 : i1 to i32
    %cond3A = arith.constant 0 : i32
    %cond3A_36 = arith.cmpi ne, %convert_element_type3A_35, %cond3A : i32
    scf.if %cond3A_36 {
      %swap3A = arith.constant 0 : index
      %swap3A_46 = arith.constant 0 : index
      %swap3A_47 = vector.load %arg6[%swap3A, %swap3A_46] : memref<64x128xf32, #tpu.memory_space<vmem>>, vector<64x128xf32>
      tpu.vector_store %arg6[%swap3A, %swap3A_46], %dot_general3A_29 {strides = array<i32>} : memref<64x128xf32, #tpu.memory_space<vmem>>, vector<64x128xf32>,
      %swap3A_48 = arith.constant 0 : index
      %swap3A_49 = arith.constant 0 : index
      %swap3A_50 = vector.load %arg7[%swap3A_48, %swap3A_49] : memref<64x8xf32, #tpu.memory_space<vmem>>, vector<64x8xf32>
      tpu.vector_store %arg7[%swap3A_48, %swap3A_49], %concatenate3A {strides = array<i32>} : memref<64x8xf32, #tpu.memory_space<vmem>>, vector<64x8xf32>,
    } else {
    }
    %gt3A = arith.constant 0 : i32
    %gt3A_37 = arith.cmpi sgt, %arg0, %gt3A : i32
    %convert_element_type3A_38 = arith.extui %gt3A_37 : i1 to i32
    %cond3A_39 = arith.constant 0 : i32
    %cond3A_40 = arith.cmpi ne, %convert_element_type3A_38, %cond3A_39 : i32
    scf.if %cond3A_40 {
      %get3A_46 = arith.constant 0 : index
      %get3A_47 = arith.constant 0 : index
      %get3A_48 = vector.load %arg6[%get3A_46, %get3A_47] : memref<64x128xf32, #tpu.memory_space<vmem>>, vector<64x128xf32>
      %add3A_49 = arith.addf %get3A_48, %dot_general3A_29 : vector<64x128xf32>
      %swap3A = arith.constant 0 : index
      %swap3A_50 = arith.constant 0 : index
      %swap3A_51 = vector.load %arg6[%swap3A, %swap3A_50] : memref<64x128xf32, #tpu.memory_space<vmem>>, vector<64x128xf32>
      tpu.vector_store %arg6[%swap3A, %swap3A_50], %add3A_49 {strides = array<i32>} : memref<64x128xf32, #tpu.memory_space<vmem>>, vector<64x128xf32>,
      %get3A_52 = arith.constant 0 : index
      %get3A_53 = arith.constant 0 : index
      %get3A_54 = vector.load %arg7[%get3A_52, %get3A_53] : memref<64x8xf32, #tpu.memory_space<vmem>>, vector<64x8xf32>
      %add3A_55 = arith.addf %get3A_54, %concatenate3A : vector<64x8xf32>
      %swap3A_56 = arith.constant 0 : index
      %swap3A_57 = arith.constant 0 : index
      %swap3A_58 = vector.load %arg7[%swap3A_56, %swap3A_57] : memref<64x8xf32, #tpu.memory_space<vmem>>, vector<64x8xf32>
      tpu.vector_store %arg7[%swap3A_56, %swap3A_57], %add3A_55 {strides = array<i32>} : memref<64x8xf32, #tpu.memory_space<vmem>>, vector<64x8xf32>,
    } else {
    }
    %eq3A_41 = arith.constant 9 : i32
    %eq3A_42 = arith.cmpi eq, %arg0, %eq3A_41 : i32
    %convert_element_type3A_43 = arith.extui %eq3A_42 : i1 to i32
    %cond3A_44 = arith.constant 0 : i32
    %cond3A_45 = arith.cmpi ne, %convert_element_type3A_43, %cond3A_44 : i32
    scf.if %cond3A_45 {
      %get3A_46 = arith.constant 0 : index
      %get3A_47 = arith.constant 0 : index
      %get3A_48 = vector.load %arg6[%get3A_46, %get3A_47] : memref<64x128xf32, #tpu.memory_space<vmem>>, vector<64x128xf32>
      %get3A_49 = arith.constant 0 : index
      %get3A_50 = arith.constant 0 : index
      %get3A_51 = vector.load %arg7[%get3A_49, %get3A_50] : memref<64x8xf32, #tpu.memory_space<vmem>>, vector<64x8xf32>
      %slice3A_52 = vector.extract_strided_slice %get3A_51 {offsets = [0, 0], sizes = [64, 1], strides = [1, 1]} : vector<64x8xf32> to vector<64x1xf32>
      %max3A = arith.constant 1.000000e+00 : f32
      %max3A_53 = vector.broadcast %max3A : f32 to vector<64x1xf32>
      %max3A_54 = arith.maximumf %slice3A_52, %max3A_53 : vector<64x1xf32>
      %div3A_55 = vector.broadcast %max3A_54 : vector<64x1xf32> to vector<64x128xf32>
      %div3A_56 = arith.divf %get3A_48, %div3A_55 : vector<64x128xf32>
      %swap3A = arith.constant 0 : index
      %swap3A_57 = arith.constant 0 : index
      %swap3A_58 = vector.load %arg6[%swap3A, %swap3A_57] : memref<64x128xf32, #tpu.memory_space<vmem>>, vector<64x128xf32>
      tpu.vector_store %arg6[%swap3A, %swap3A_57], %div3A_56 {strides = array<i32>} : memref<64x128xf32, #tpu.memory_space<vmem>>, vector<64x128xf32>,
    } else {
    }
    return
  }
  func.func @transform_0(%arg0: i32) -> (i32, i32) {
    %c0_i32 = arith.constant 0 : i32
    %c0_i32_0 = arith.constant 0 : i32
    return %arg0, %c0_i32 : i32, i32
  }
  func.func @transform_1(%arg0: i32) -> (i32, i32) {
    %c0_i32 = arith.constant 0 : i32
    %c0_i32_0 = arith.constant 0 : i32
    return %arg0, %c0_i32 : i32, i32
  }
  func.func @transform_2(%arg0: i32) -> (i32, i32) {
    %c0_i32 = arith.constant 0 : i32
    %c0_i32_0 = arith.constant 0 : i32
    return %arg0, %c0_i32 : i32, i32
  }
  func.func @transform_3(%arg0: i32) -> (i32, i32) {
    %c0_i32 = arith.constant 0 : i32
    %c0_i32_0 = arith.constant 0 : i32
    %c0_i32_1 = arith.constant 0 : i32
    return %c0_i32, %c0_i32_0 : i32, i32
  }
  func.func @transform_4(%arg0: i32) -> (i32, i32, i32) {
    %c0_i32 = arith.constant 0 : i32
    %c0_i32_0 = arith.constant 0 : i32
    %c0_i32_1 = arith.constant 0 : i32
    return %arg0, %c0_i32, %c0_i32_0 : i32, i32, i32
  }
  func.func @transform_5(%arg0: i32) -> (i32, i32) {
    %c0_i32 = arith.constant 0 : i32
    %c0_i32_0 = arith.constant 0 : i32
    %c0_i32_1 = arith.constant 0 : i32
    return %c0_i32, %c0_i32_0 : i32, i32
  }
  func.func @transform_6(%arg0: i32) -> (i32, i32) {
    %c0_i32 = arith.constant 0 : i32
    %c0_i32_0 = arith.constant 0 : i32
    %c0_i32_1 = arith.constant 0 : i32
    return %c0_i32, %c0_i32_0 : i32, i32
  }
}

</mosaic_0001>

<sc_bundles>
// kernel: kernel.11.cloned.1.call-start
scs
__scs_entry_jumppad:
0x0: {  	(pc) =	sbr.rel $0x88, $3  }
0x1: {  	(tag) =	ssettag $0x0;
	lr =	simm.s32 $0x1  }
0x2: {  	[smem:$0x3F91] =	sst lr;
	_ =	strace $0xD0000000  }
0x3: {  	_ = 	snop  }
0x4: {  	_ = 	snop  }
0x5: {  	_ = 	snop  }
0x6: {  	_ = 	snop  }
0x7: {  	_ = 	snop  }
__scs_overlays_trampoline_lowered:
0x8: {  	[smem:$0x3FA0] =	sst s0  }
0x9: {  	[smem:$0x3FA1] =	sst s1  }
0xa: {  	[smem:$0x3FA2] =	sst s2  }
0xb: {  	[smem:$0x3FA3] =	sst s3  }
0xc: {  	[smem:$0x3FA4] =	sst s4  }
0xd: {  	[smem:$0x3FA5] =	sst s5  }
0xe: {  	[smem:$0x3FA6] =	sst s6  }
0xf: {  	[smem:$0x3FA7] =	sst s7  }
0x10: {  	[smem:$0x3FA8] =	sst s8  }
0x11: {  	[smem:$0x3FA9] =	sst s9;
	s0 =	simm.s32 @!p0 $0x0  }
0x12: {  	s1 =	sld [smem:$0x3F8F];
	s0 =	simm.s32 @p0 $0x1  }
0x13: {  	[smem:$0x3FAA] =	sst s0;
	s0 =	simm.s32 @!p1 $0x0  }
0x14: {  	s2 =	sld [smem:$0x3F8E];
	s0 =	simm.s32 @p1 $0x1  }
0x15: {  	[smem:$0x3FAB] =	sst s0;
	s0 =	simm.s32 @!p2 $0x0  }
0x16: {  	s3 =	sld [smem:$0x3FDB];
	s0 =	simm.s32 @p2 $0x1  }
0x17: {  	s4 =	simm.s32 $0x1BF5;
	[smem:$0x3FAD] =	sst s0  }
0x18: {  	s0 =	sld [smem:$0x3F90];
	_ =	swait.ge [sflag:s4], $0x0  }
0x19: {  	s7 =	sld [smem:$0x3F91]  }
0x1a: {  	s8 =	sadd.s32 $0xFFFFE003, lr  }
0x1b: {  	s9 =	sadd.s32 $0xFFFFFEF7, lr;
	s5 =	simm.s32 $0xFFFFFFFF;
	p2 =	slt.u32 s8, $0xFFFFF086  }
0x1c: {  	p1 =	slt.u32 s9, $0xF7A;
	s5 =	simm.s32 @!p2 $0x0  }
0x1d: {  	s5 =	simm.s32 @p1 $0x1;
	p0 =	seq.s32 s7, s2  }
0x1e: {  	s7 =	smul.u32 @!p0 $0xF7A, s2;
	p2 =	seq.s32 @!p0 s5, $0x0  }
0x1f: {  	s9 =	smul.u32 $0xF7A, s1;
	s8 =	simm.s32 @!p0 $0x1BF5;
	p2 =	por !p2, p0  }
0x20: {  	[sflag:s8] =	ssyncset.s32 @!p0 $0xFFFFF086;
	s6 =	sadd.s32 @!p0 s3, s7;
	s7 =	simm.s32 @!p0 $0x108  }
0x21: {  	s3 =	sadd.s32 s3, s9;
	s6 =	sadd.s32 @!p0 $0x88, s6;
	s7 =	simm.s32 @p2 $0x1082  }
0x22: {  	[simem:s7], [sflag:s8] =	dma.local @!p0 [hbm:s6], $0xF7A  }
0x23: {  	s9 =	sor.u32 $0xD0000000, s2;
	s6 =	simm.s32 $0x108;
	_ =	swait.ge @!p0 [sflag:s8], $0x0  }
0x24: {  	s3 =	sadd.s32 $0x88, s3;
	s6 =	simm.s32 @!p1 $0x1082;
	[sflag:s4] =	ssyncset.s32 $0xFFFFF086  }
0x25: {  	[simem:s6], [sflag:s4] =	dma.local [hbm:s3], $0xF7A  }
0x26: {  	[smem:$0x3F91] =	sst s1;
	(tag) =	ssettag s2;
	_ =	strace s9  }
0x27: {  	s1 =	sld [smem:$0x3FA1]  }
0x28: {  	s2 =	sld [smem:$0x3FA2]  }
0x29: {  	s4 =	sld [smem:$0x3FA4]  }
0x2a: {  	p0 =	seq.s32 s5, $0x0;
	s5 =	sld [smem:$0x3FA5]  }
0x2b: {  	s6 =	sld [smem:$0x3FA6]  }
0x2c: {  	s7 =	sld [smem:$0x3FA7]  }
0x2d: {  	s3 =	simm.s32 $0x108;
	s8 =	sld [smem:$0x3FA8]  }
0x2e: {  	s3 =	simm.s32 @!p0 $0x1082;
	s9 =	sld [smem:$0x3FA9]  }
0x2f: {  	lr =	sadd.s32 s0, s3;
	s0 =	sld [smem:$0x3FA0]  }
0x30: {  	s3 =	sld [smem:$0x3FA3]  }
0x31: {  	[smem:$0x3FAC] =	sst s10  }
0x32: {  	s10 =	sld [smem:$0x3FAA];
	_ =	sdelay $0x3  }
0x33: {  	p0 =	seq.s32 s10, $0x1;
	s10 =	sld [smem:$0x3FAC];
	_ =	sdelay $0x3  }
0x34: {  	[smem:$0x3FAC] =	sst s10  }
0x35: {  	s10 =	sld [smem:$0x3FAB];
	_ =	sdelay $0x3  }
0x36: {  	p1 =	seq.s32 s10, $0x1;
	s10 =	sld [smem:$0x3FAC];
	_ =	sdelay $0x3  }
0x37: {  	[smem:$0x3FAC] =	sst s10  }
0x38: {  	s10 =	sld [smem:$0x3FAD]  }
0x39: {  	_ = 	snop;
	(pc) =	sbr.ind lr, $3  }
0x3a: {  	_ = 	snop  }
0x3b: {  	_ = 	snop  }
0x3c: {  	p2 =	seq.s32 s10, $0x1;
	s10 =	sld [smem:$0x3FAC]  }
0x3d: {  	_ =	shalt  }
0x3e: {  	_ =	shalt  }
0x3f: {  	_ =	shalt  }
0x40: {  	_ =	shalt  }
0x41: {  	_ =	shalt  }
0x42: {  	_ =	shalt  }
0x43: {  	_ =	shalt  }
0x44: {  	_ =	shalt  }
0x45: {  	_ =	shalt  }
0x46: {  	_ =	shalt  }
0x47: {  	_ =	shalt  }
0x48: {  	_ =	shalt  }
0x49: {  	_ =	shalt  }
0x4a: {  	_ =	shalt  }
0x4b: {  	_ =	shalt  }
0x4c: {  	_ =	shalt  }
0x4d: {  	_ =	shalt  }
0x4e: {  	_ =	shalt  }
0x4f: {  	_ =	shalt  }
0x50: {  	_ =	shalt  }
0x51: {  	_ =	shalt  }
0x52: {  	_ =	shalt  }
0x53: {  	_ =	shalt  }
0x54: {  	_ =	shalt  }
0x55: {  	_ =	shalt  }
0x56: {  	_ =	shalt  }
0x57: {  	_ =	shalt  }
0x58: {  	_ =	shalt  }
0x59: {  	_ =	shalt  }
0x5a: {  	_ =	shalt  }
0x5b: {  	_ =	shalt  }
0x5c: {  	_ =	shalt  }
0x5d: {  	_ =	shalt  }
0x5e: {  	_ =	shalt  }
0x5f: {  	_ =	shalt  }
0x60: {  	_ =	shalt  }
0x61: {  	_ =	shalt  }
0x62: {  	_ =	shalt  }
0x63: {  	_ =	shalt  }
0x64: {  	_ =	shalt  }
0x65: {  	_ =	shalt  }
0x66: {  	_ =	shalt  }
0x67: {  	_ =	shalt  }
0x68: {  	_ =	shalt  }
0x69: {  	_ =	shalt  }
0x6a: {  	_ =	shalt  }
0x6b: {  	_ =	shalt  }
0x6c: {  	_ =	shalt  }
0x6d: {  	_ =	shalt  }
0x6e: {  	_ =	shalt  }
0x6f: {  	_ =	shalt  }
0x70: {  	_ =	shalt  }
0x71: {  	_ =	shalt  }
0x72: {  	_ =	shalt  }
0x73: {  	_ =	shalt  }
0x74: {  	_ =	shalt  }
0x75: {  	_ =	shalt  }
0x76: {  	_ =	shalt  }
0x77: {  	_ =	shalt  }
0x78: {  	_ =	shalt  }
0x79: {  	_ =	shalt  }
0x7a: {  	_ =	shalt  }
0x7b: {  	_ =	shalt  }
0x7c: {  	_ =	shalt  }
0x7d: {  	_ =	shalt  }
0x7e: {  	_ =	shalt  }
0x7f: {  	_ =	shalt  }
0x80: {  	_ =	shalt  }
0x81: {  	_ =	shalt  }
0x82: {  	_ =	shalt  }
0x83: {  	_ =	shalt  }
0x84: {  	_ =	shalt  }
0x85: {  	_ =	shalt  }
0x86: {  	_ =	shalt  }
0x87: {  	_ =	shalt  }
.Lfunc_end0:
.L_simem_size_0:
called_computation.1_lowered:
.L_overlay_start_0:
0x88: {  	s2 =	sld [smem:$0x3FD9]  }
0x89: {  	s3 =	sld [smem:$0x3FFE];
	_ =	sdelay $0x1  }
0x8a: {  	s1 =	srdreg.scid  }
0x8b: {  	s0 =	sand.u32 $0x1, s1  }
0x8c: {  	s16 =	sshll.u32 s0, $0xA;
	s2 =	sadd.s32 s3, s2  }
0x8d: {  	s2 =	sadd.s32 s2, s16  }
0x8e: {  	[smem:$0x3FB8] =	sst s2  }
0x8f: {  	_ = 	snop  }
0x90: {  	(tm) =	ssettm $0x1  }
0x91: {  	s17 =	sld [smem:$0x3FFB];
	_ =	sdelay $0x3  }
0x92: {  	_ =	strace s17  }
0x93: {  	s2 =	sld [smem:$0x3FFC];
	_ =	sdelay $0x3  }
0x94: {  	_ =	strace s2  }
0x95: {  	s2 =	sld [smem:$0x3FFD];
	_ =	sdelay $0x3  }
0x96: {  	_ =	strace s2  }
0x97: {  	_ =	strace $0x8FFFFFFF  }
0x98: {  	s18 =	sld [smem:$0x3FDB];
	_ =	sdelay $0x1  }
0x99: {  	s19 =	simm.s32 $_scs_section_size  }
0x9a: {  	s4 =	simm.s32 $_size__tile_overlayer_lowered;
	s5 =	simm.s32 $_tile_overlayer_lowered  }
0x9b: {  	s22 =	simm.s32 $0x1BFF;
	s21 =	sshll.u32 s5, $0x1;
	s2 =	sadd.s32 s19, s18  }
0x9c: {  	s6 =	simm.s32 $0x0;
	s20 =	sshll.u32 s4, $0x1;
	s4 =	sadd.s32 s21, s2  }
0x9d: {  	[timem:s6], [sflag:s22] =	dma.local [hbm:s4], s20  }
0x9e: {  	_ =	swait.ge [sflag:s22], s20  }
0x9f: {  	s3 =	ssub.s32 $0x0, s20;
	[sflag:s22] =	ssyncset.done $0x0  }
0xa0: {  	[sflag:s22] =	ssyncadd.s32 s3;
	_ =	sdelay $0x1  }
0xa1: {  	s23 =	simm.s32 $0x1B8B  }
0xa2: {  	_ =	swait.ge [sflag:s23], $0x1  }
0xa3: {  	[sflag:s23] =	ssyncset.done $0x0  }
0xa4: {  	s25 =	simm.s32 $0x1B8E;
	s24 =	sld [smem:$0x3FFE];
	[sflag:s23] =	ssyncadd.s32 $0xFFFFFFFF  }
0xa5: {  	s26 =	simm.s32 $execute0_lowered;
	[smem:$0x3FD2] =	sst s25  }
0xa6: {  	s4 =	sshll.u32 s26, $0x1;
	_ =	strace $0x80000049;
	[dreg:$0x1] =	wrdreg $0xFFFFFFFF  }
0xa7: {  	s28 =	simm.s32 $_size_execute0_lowered;
	s2 =	sadd.s32 s2, s4;
	[dreg:$0x0] =	wrdreg $0x0  }
0xa8: {  	s4 =	sshll.u32 s28, $0x1;
	[dreg:$0x2] =	wrdreg s2  }
0xa9: {  	[dreg:$0x3] =	wrdreg s4  }
0xaa: {  	[dreg:$0x4] =	wrdreg $0xC0  }
0xab: {  	_ =	task [dreg:s6], $0x5FFFF  }
0xac: {  	[dreg:$0x1] =	wrdreg $0xFFFFFFFF  }
0xad: {  	[dreg:$0x0] =	wrdreg $0x60  }
0xae: {  	[dreg:$0x2] =	wrdreg s24  }
0xaf: {  	[dreg:$0x3] =	wrdreg $0xF5A00  }
0xb0: {  	[dreg:$0x4] =	wrdreg $0x9  }
0xb1: {  	_ =	task.clear_ibuf [dreg:s6], $0x5FFFF;
	_ =	strace $0x90000049  }
0xb2: {  	s29 =	simm.s32 $0x9;
	_ =	strace $0x8000004B  }
0xb3: {  	_ =	swait.ge [sflag:s29], $0x1  }
0xb4: {  	[sflag:s29] =	ssyncadd.s32 $0xFFFFFFFF  }
0xb5: {  	_ =	strace $0x9000004B  }
0xb6: {  	_ =	sfence  }
0xb7: {  	s30 =	sld [smem:$0x0];
	_ =	sdelay $0x2  }
0xb8: {  	s31 =	sshll.u32 s1, $0xD;
	s1 =	sshrl.u32 s1, $0x2  }
0xb9: {  	s3 =	sand.u32 $0x4000, s31;
	s1 =	sadd.s32 s1, s30  }
0xba: {  	s0 =	sor.u32 s3, s0;
	s1 =	sshll.u32 s1, $0x11  }
0xbb: {  	s0 =	sor.u32 s1, s0  }
0xbc: {  	s0 =	sadd.s32 $0x8F2B, s0  }
0xbd: {  	[sflag:s0] =	ssyncadd.remote.s32 $0x1  }
0xbe: {  	_ =	sfence.sel $0xFFFF  }
0xbf: {  	[dreg:$0x0] =	wrdreg $0xFFFFFFFF;
	(pc) =	sbr.abs _section_cstart, $3  }
0xc0: {  	[dreg:$0x1] =	wrdreg $0xFFFFFFFF  }
0xc1: {  	_ =	task.clear_ibuf [dreg:s6], $0x2FFFF;
	_ =	strace $0x9FFFFFFF  }
0xc2: {  	(tm) =	ssettm $0x7FFFFFFF  }
0xc3: {  	_ =	shalt  }
tec
execute0_lowered:
.L_overlay_start_1:
0x0: {  	(tag) =	ssettag $0x1  }
0x1: {  	s9 =	rddreg [dreg:$0x0];
	s0 =	srdreg.scid  }
0x2: {  	s2 =	rddreg [dreg:$0x1];
	s1 =	stileid.u32  }
0x3: {  	s3 =	simm.s32 $0x0;
	s16 =	simm.s32 $0xCB20;
	s17 =	simm.s32 $0x3  }
0x4: {  	s18 =	simm.s32 $0x50;
	s19 =	simm.s32 $0xA0;
	s20 =	simm.s32 $0x50A0  }
0x5: {  	s21 =	simm.s32 $0x78A0;
	s23 =	simm.s32 $0x1;
	s24 =	simm.s32 $0xA0A0  }
0x6: {  	s8 =	sand.u32 $0x1, s0;
	s0 =	rddreg [dreg:$0x2];
	s5 =	smul.u32 $0x138, s1  }
0x7: {  	[smem:$0x7FF] =	sst s3;
	s4 =	sadd.s32 $0xB3200, s9;
	s12 =	smul.u32 $0x29700, s1  }
0x8: {  	s6 =	sadd.s32 $0x51FE00, s9;
	s22 =	smul.u32 $0x1388, s8;
	s11 =	ssub.s32 $0x2, s8  }
0x9: {  	_ =	strace $0x8000004A;
	s8 =	sadd.s32 $0x3000, s9;
	s30 =	sshrl.u32 s11, $0x1  }
0xa: {  	s31 =	sshrl.u32 s12, $0x2;
	s7 =	sadd.s32 s5, s22;
	s5 =	sadd.s32 $0x64E00, s9  }
0xb: {  	s13 =	ssub.s32 s11, s30;
	s11 =	sadd.s32 s31, s2;
	s10 =	smul.u32 $0x11, s7  }
0xc: {  	v1 =	vmov s22;
	s22 =	simm.s32 $0x2;
	s7 =	sadd.s32 $0xCE00, s9;
	s12 =	smax.u32 s13, $0x1  }
0xd: {  	v0 =	vimm.f32 $0.0e+00;
	vm0 =	vcmask $0x2320;
	s13 =	sadd.s32 $0x2A80, s11;
	s14 =	sadd.s32 $0x5500, s11;
	s10 =	sadd.s32 s10, s9  }
0xe: {  	v2 =	vsel vm0, $0x3F800000, v0;
	s15 =	sadd.s32 $0x7F80, s11;
	s9 =	smul.u32 $0x4E20, s1;
	s10 =	sadd.s32 $0x101400, s10  }
.LBB2_1:
0xf: {  	s25 =	simm.s32 $0x0;
	s26 =	simm.s32 $0x220  }
.LBB2_2:
0x10: {  	p0 =	sne.s32 s26, $0xA7E0;
	[tilespmem:s25+$0xCB90] =	vst v0  }
0x11: {  	[tilespmem:s25+$0xCB20] =	vst v0  }
0x12: {  	[tilespmem:s25+$0xCB30] =	vst v0  }
.Ltmp0:
0x13: {  	[tilespmem:s25+$0xCB40] =	vst v0;
	(pc) =	sbr.rel @p0 .LBB2_2-.Ltmp0, $4  }
0x14: {  	[tilespmem:s25+$0xCB50] =	vst v0  }
0x15: {  	[tilespmem:s25+$0xCB60] =	vst v0  }
0x16: {  	[tilespmem:s25+$0xCB70] =	vst v0  }
0x17: {  	[tilespmem:s25+$0xCB80] =	vst v0;
	s25 =	sshra.s32 s26, $0x2;
	s26 =	sadd.s32 $0x220, s26  }
0x18: {  	[tilespmem:s25+$0xCB90] =	vst v0  }
0x19: {  	[tilespmem:s25+$0xCB20] =	vst v0  }
0x1a: {  	[tilespmem:s25+$0xCB30] =	vst v0  }
0x1b: {  	[tilespmem:s25+$0xCB40] =	vst v0  }
0x1c: {  	[tilespmem:s25+$0xCB50] =	vst v0  }
0x1d: {  	[tilespmem:s25+$0xCB60] =	vst v0  }
0x1e: {  	[tilespmem:s25+$0xCB70] =	vst v0  }
0x1f: {  	[tilespmem:s25+$0xCB80] =	vst v0  }
0x20: {  	[spmem:s11] =	stream.linear.scatter [tilespmem:s16], [sflag:$0x3], $0x2A80, $0x38;
	[tilespmem:$0x19BE8] =	vst v63  }
0x21: {  	_ =	swait.ge [sflag:s17], $0x2A80  }
0x22: {  	[sflag:s17] =	ssyncset.done $0x0  }
0x23: {  	[sflag:s17] =	ssyncadd.s32 $0xFFFFD580  }
0x24: {  	[spmem:s13] =	stream.linear.scatter [tilespmem:s16], [sflag:$0x3], $0x2A80, $0x38;
	[tilespmem:$0x19BE8] =	vst v63  }
0x25: {  	_ =	swait.ge [sflag:s17], $0x2A80  }
0x26: {  	[sflag:s17] =	ssyncset.done $0x0  }
0x27: {  	[sflag:s17] =	ssyncadd.s32 $0xFFFFD580  }
0x28: {  	[spmem:s14] =	stream.linear.scatter [tilespmem:s16], [sflag:$0x3], $0x2A80, $0x38;
	[tilespmem:$0x19BE8] =	vst v63  }
0x29: {  	_ =	swait.ge [sflag:s17], $0x2A80  }
0x2a: {  	[sflag:s17] =	ssyncset.done $0x0  }
0x2b: {  	[sflag:s17] =	ssyncadd.s32 $0xFFFFD580  }
0x2c: {  	[spmem:s15] =	stream.linear.scatter [tilespmem:s16], [sflag:$0x3], $0x2A80, $0x38;
	[tilespmem:$0x19BE8] =	vst v63  }
0x2d: {  	_ =	swait.ge [sflag:s17], $0x2A80  }
0x2e: {  	[sflag:s17] =	ssyncset.done $0x0  }
0x2f: {  	[sflag:s17] =	ssyncadd.s32 $0xFFFFD580  }
0x30: {  	s25 =	simm.s32 $0x0;
	s26 =	simm.s32 $0x0;
	[bflag:$0x0] =	sbarrier.arrive $0xFFFF  }
.LBB2_4:
0x31: {  	s28 =	smul.u32 $0x50, s26;
	_ =	sdelay $0x1  }
0x32: {  	s28 =	sadd.s32 s9, s28  }
0x33: {  	s29 =	sshrl.u32 s28, $0x3  }
0x34: {  	s30 =	sadd.s32 s7, s29  }
0x35: {  	[tilespmem:s25], [sflag:$0x3] =	stream.linear.gather [hbm4b:s30+s25], $0x50, $0x38;
	[tilespmem:$0x19BE8] =	vst v63  }
0x36: {  	_ =	swait.ge [sflag:s17], $0x50  }
0x37: {  	[sflag:s17] =	ssyncset.done $0x0  }
0x38: {  	s29 =	sadd.s32 s8, s29;
	[sflag:s17] =	ssyncadd.s32 $0xFFFFFFB0  }
0x39: {  	[tilespmem:s18], [sflag:$0x3] =	stream.linear.gather [hbm4b:s29+s25], $0x50, $0x38;
	[tilespmem:$0x19BE8] =	vst v63  }
0x3a: {  	_ =	swait.ge [sflag:s17], $0x50  }
0x3b: {  	[sflag:s17] =	ssyncset.done $0x0  }
0x3c: {  	[sflag:s17] =	ssyncadd.s32 $0xFFFFFFB0  }
0x3d: {  	[tilespmem:s19], [sflag:$0x1] =	stream.indirect.gather [hbm4b:s4+s18], $0x100, s25, s18, $0xb8;
	[tilespmem:$0x19BE8] =	vst v63  }
0x3e: {  	s28 =	sshll.u32 s28, $0x4  }
0x3f: {  	[tilespmem:s20], [sflag:$0x2] =	stream.indirect.gather [hbm4b:s5+s18], $0x80, s18, s18, $0xb8;
	[tilespmem:$0x19BE8] =	vst v63  }
0x40: {  	s28 =	sadd.s32 s6, s28  }
0x41: {  	[tilespmem:s21], [sflag:$0x3] =	stream.linear.gather [hbm4b:s28+s25], $0x2800, $0x38;
	[tilespmem:$0x19BE8] =	vst v63  }
0x42: {  	_ =	swait.ge [sflag:s17], $0x2800  }
0x43: {  	[sflag:s17] =	ssyncset.done $0x0  }
0x44: {  	[sflag:s17] =	ssyncadd.s32 $0xFFFFD800  }
0x45: {  	_ =	swait.ge [sflag:s22], $0x2800  }
0x46: {  	[sflag:s22] =	ssyncset.done $0x0  }
0x47: {  	[sflag:s22] =	ssyncadd.s32 $0xFFFFD800  }
0x48: {  	_ =	swait.ge [sflag:s23], $0x5000  }
0x49: {  	[sflag:s23] =	ssyncset.done $0x0  }
0x4a: {  	[sflag:s23] =	ssyncadd.s32 $0xFFFFB000  }
0x4b: {  	v3 =	vld [tilespmem:$0x50]  }
0x4c: {  	v4 =	vld [tilespmem:$0x60]  }
0x4d: {  	v5 =	vld [tilespmem:$0x70]  }
0x4e: {  	v6 =	vld [tilespmem:$0x80]  }
0x4f: {  	v7 =	vld [tilespmem:$0x90]  }
0x50: {  	v3 =	vsub.s32 v3, v1  }
0x51: {  	v4 =	vsub.s32 v4, v1;
	v3 =	vmin.u32 v3, $0x1388  }
0x52: {  	[tilespmem:$0x50] =	vst v3;
	v3 =	vmin.u32 v4, $0x1388;
	v4 =	vsub.s32 v5, v1  }
0x53: {  	[tilespmem:$0x60] =	vst v3;
	v3 =	vmin.u32 v4, $0x1388;
	v4 =	vsub.s32 v6, v1  }
0x54: {  	[tilespmem:$0x70] =	vst v3;
	v3 =	vmin.u32 v4, $0x1388;
	v4 =	vsub.s32 v7, v1  }
0x55: {  	[tilespmem:$0x80] =	vst v3;
	v3 =	vmin.u32 v4, $0x1388  }
0x56: {  	s29 =	simm.s32 $0xF0;
	[tilespmem:$0x90] =	vst v3  }
0x57: {  	s28 =	simm.s32 $0x0;
	v3 =	vld [tilespmem:s29+$0xFFFFFFB0]  }
0x58: {  	v4 =	vld [tilespmem:s28+$0x50A0];
	_ =	sdelay $0x1  }
0x59: {  	v5 =	vld [tilespmem:s28+$0x78B0];
	_ =	sdelay $0x2  }
0x5a: {  	v3 =	vadd.f32 v4, v3;
	_ =	sdelay $0x1  }
0x5b: {  	v3 =	vadd.f32 v5, v3;
	_ =	sdelay $0x1  }
0x5c: {  	v4 =	vmul.f32 $2.000000030e-01, v3  }
0x5d: {  	vm0 =	vgt.f32 v3, $0.0e+00  }
0x5e: {  	v3 =	vsel vm0, v3, v4  }
0x5f: {  	v3 =	vmul.f32 $1.442695020e+00, v3;
	_ =	sdelay $0x1  }
0x60: {  	(erf) = vpow2.f32 v3;
	_ =	sdelay $0x6  }
0x61: {  	v3 =	vld [tilespmem:s29+$0xFFFFFFC0];
	_ =	sdelay $0x1  }
0x62: {  	v4 =	vpop (erf)  }
0x63: {  	v4 =	vbroadcast v4, $0x1;
	_ =	sdelay $0x1  }
0x64: {  	v3 =	vmul.f32 v4, v3  }
0x65: {  	s28 =	simm.s32 $0xA0E0  }
0x66: {  	[tilespmem:s28+$0xFFFFFFC0] =	vst v3  }
0x67: {  	v3 =	vld [tilespmem:s29+$0xFFFFFFD0];
	_ =	sdelay $0x4  }
0x68: {  	v3 =	vmul.f32 v4, v3;
	_ =	sdelay $0x1  }
0x69: {  	[tilespmem:s28+$0xFFFFFFD0] =	vst v3  }
0x6a: {  	v3 =	vld [tilespmem:s29+$0xFFFFFFE0];
	_ =	sdelay $0x4  }
0x6b: {  	v3 =	vmul.f32 v4, v3;
	_ =	sdelay $0x1  }
0x6c: {  	[tilespmem:s28+$0xFFFFFFE0] =	vst v3  }
0x6d: {  	v3 =	vld [tilespmem:s29+$0xFFFFFFF0];
	_ =	sdelay $0x4  }
0x6e: {  	v3 =	vmul.f32 v3, v4;
	_ =	sdelay $0x1  }
0x6f: {  	[tilespmem:s28+$0xFFFFFFF0] =	vst v3  }
0x70: {  	v3 =	vld [tilespmem:s29+$0x0];
	_ =	sdelay $0x4  }
0x71: {  	v3 =	vmul.f32 v3, v4;
	_ =	sdelay $0x1  }
0x72: {  	[tilespmem:s28+$0x0] =	vst v3  }
0x73: {  	v3 =	vld [tilespmem:s29+$0x10];
	_ =	sdelay $0x4  }
0x74: {  	v3 =	vmul.f32 v3, v4;
	_ =	sdelay $0x1  }
0x75: {  	[tilespmem:s28+$0x10] =	vst v3  }
0x76: {  	v3 =	vld [tilespmem:s29+$0x20];
	_ =	sdelay $0x4  }
0x77: {  	v3 =	vmul.f32 v3, v4;
	_ =	sdelay $0x1  }
0x78: {  	[tilespmem:s28+$0x20] =	vst v3  }
0x79: {  	v3 =	vld [tilespmem:s29+$0x30];
	_ =	sdelay $0x4  }
0x7a: {  	v3 =	vmul.f32 v3, v4;
	_ =	sdelay $0x1  }
0x7b: {  	[tilespmem:s28+$0x30] =	vst v3  }
0x7c: {  	v3 =	vld [tilespmem:s29+$0x38];
	_ =	sdelay $0x4  }
0x7d: {  	v3 =	vadd.f32 v2, v3;
	_ =	sdelay $0x1  }
0x7e: {  	v3 =	vmul.f32 v3, v4;
	_ =	sdelay $0x1  }
0x7f: {  	s29 =	simm.s32 $0x1F0;
	[tilespmem:s28+$0x38] =	vst v3  }
0x80: {  	s31 =	simm.s32 $0x80;
	s30 =	simm.s32 $0x400;
	v3 =	vld [tilespmem:s29+$0xFFFFFFB0]  }
.LBB2_5:
0x81: {  	p0 =	sne.s32 s30, $0x9E00;
	v4 =	vld [tilespmem:s31+$0x50A0]  }
0x82: {  	v5 =	vld [tilespmem:s31+$0x78B0]  }
0x83: {  	v6 =	vld [tilespmem:s29+$0xFFFFFFC0];
	_ =	sdelay $0x2  }
0x84: {  	v3 =	vadd.f32 v4, v3;
	_ =	sdelay $0x1  }
0x85: {  	v3 =	vadd.f32 v5, v3;
	_ =	sdelay $0x1  }
0x86: {  	v4 =	vmul.f32 $2.000000030e-01, v3  }
0x87: {  	vm0 =	vgt.f32 v3, $0.0e+00  }
0x88: {  	v3 =	vsel vm0, v3, v4  }
0x89: {  	v3 =	vmul.f32 $1.442695020e+00, v3;
	_ =	sdelay $0x1  }
0x8a: {  	(erf) = vpow2.f32 v3;
	_ =	sdelay $0x8  }
0x8b: {  	v3 =	vpop (erf)  }
0x8c: {  	v3 =	vbroadcast v3, $0x1;
	_ =	sdelay $0x1  }
0x8d: {  	v4 =	vmul.f32 v3, v6  }
0x8e: {  	s28 =	sadd.s32 $0x88, s28  }
0x8f: {  	[tilespmem:s28+$0xFFFFFFC0] =	vst v4  }
0x90: {  	v4 =	vld [tilespmem:s29+$0xFFFFFFD0];
	_ =	sdelay $0x4  }
0x91: {  	v4 =	vmul.f32 v3, v4;
	_ =	sdelay $0x1  }
0x92: {  	[tilespmem:s28+$0xFFFFFFD0] =	vst v4  }
0x93: {  	v4 =	vld [tilespmem:s29+$0xFFFFFFE0];
	_ =	sdelay $0x4  }
0x94: {  	v4 =	vmul.f32 v3, v4;
	_ =	sdelay $0x1  }
0x95: {  	[tilespmem:s28+$0xFFFFFFE0] =	vst v4  }
0x96: {  	v4 =	vld [tilespmem:s29+$0xFFFFFFF0];
	_ =	sdelay $0x4  }
0x97: {  	v4 =	vmul.f32 v4, v3;
	_ =	sdelay $0x1  }
0x98: {  	[tilespmem:s28+$0xFFFFFFF0] =	vst v4  }
0x99: {  	v4 =	vld [tilespmem:s29+$0x0];
	_ =	sdelay $0x4  }
0x9a: {  	v4 =	vmul.f32 v4, v3;
	_ =	sdelay $0x1  }
0x9b: {  	[tilespmem:s28+$0x0] =	vst v4  }
0x9c: {  	v4 =	vld [tilespmem:s29+$0x10];
	_ =	sdelay $0x4  }
0x9d: {  	v4 =	vmul.f32 v4, v3;
	_ =	sdelay $0x1  }
0x9e: {  	[tilespmem:s28+$0x10] =	vst v4  }
0x9f: {  	v4 =	vld [tilespmem:s29+$0x20];
	_ =	sdelay $0x4  }
0xa0: {  	v4 =	vmul.f32 v4, v3;
	_ =	sdelay $0x1  }
0xa1: {  	[tilespmem:s28+$0x20] =	vst v4  }
0xa2: {  	v4 =	vld [tilespmem:s29+$0x30];
	_ =	sdelay $0x4  }
0xa3: {  	v4 =	vmul.f32 v4, v3;
	_ =	sdelay $0x1  }
0xa4: {  	[tilespmem:s28+$0x30] =	vst v4  }
0xa5: {  	v4 =	vld [tilespmem:s29+$0x38];
	_ =	sdelay $0x4  }
0xa6: {  	v4 =	vadd.f32 v2, v4  }
.Ltmp1:
0xa7: {  	(pc) =	sbr.rel @p0 .LBB2_5-.Ltmp1, $3  }
0xa8: {  	v3 =	vmul.f32 v4, v3;
	_ =	sdelay $0x1  }
0xa9: {  	s29 =	sadd.s32 $0x100, s29;
	[tilespmem:s28+$0x38] =	vst v3  }
0xaa: {  	s31 =	sshra.s32 s30, $0x2;
	s30 =	sadd.s32 $0x200, s30;
	v3 =	vld [tilespmem:s29+$0xFFFFFFB0]  }
0xab: {  	v4 =	vld [tilespmem:s31+$0x50A0];
	_ =	sdelay $0x1  }
0xac: {  	v5 =	vld [tilespmem:s31+$0x78B0];
	_ =	sdelay $0x2  }
0xad: {  	v3 =	vadd.f32 v4, v3;
	_ =	sdelay $0x1  }
0xae: {  	v3 =	vadd.f32 v5, v3;
	_ =	sdelay $0x1  }
0xaf: {  	v62 =	vmul.f32 $2.000000030e-01, v3  }
0xb0: {  	vm0 =	vgt.f32 v3, $0.0e+00  }
0xb1: {  	v3 =	vsel vm0, v3, v62  }
0xb2: {  	v3 =	vmul.f32 $1.442695020e+00, v3;
	_ =	sdelay $0x1  }
0xb3: {  	(erf) = vpow2.f32 v3;
	_ =	sdelay $0x6  }
0xb4: {  	v3 =	vld [tilespmem:s29+$0xFFFFFFC0];
	_ =	sdelay $0x1  }
0xb5: {  	v63 =	vpop (erf)  }
0xb6: {  	v4 =	vbroadcast v63, $0x1;
	_ =	sdelay $0x1  }
0xb7: {  	v3 =	vmul.f32 v4, v3  }
0xb8: {  	s28 =	sadd.s32 $0x88, s28  }
0xb9: {  	[tilespmem:s28+$0xFFFFFFC0] =	vst v3  }
0xba: {  	v3 =	vld [tilespmem:s29+$0xFFFFFFD0];
	_ =	sdelay $0x4  }
0xbb: {  	v3 =	vmul.f32 v4, v3;
	_ =	sdelay $0x1  }
0xbc: {  	[tilespmem:s28+$0xFFFFFFD0] =	vst v3  }
0xbd: {  	v3 =	vld [tilespmem:s29+$0xFFFFFFE0];
	_ =	sdelay $0x4  }
0xbe: {  	v3 =	vmul.f32 v4, v3;
	_ =	sdelay $0x1  }
0xbf: {  	[tilespmem:s28+$0xFFFFFFE0] =	vst v3  }
0xc0: {  	v3 =	vld [tilespmem:s29+$0xFFFFFFF0];
	_ =	sdelay $0x4  }
0xc1: {  	v3 =	vmul.f32 v3, v4;
	_ =	sdelay $0x1  }
0xc2: {  	[tilespmem:s28+$0xFFFFFFF0] =	vst v3  }
0xc3: {  	v3 =	vld [tilespmem:s29+$0x0];
	_ =	sdelay $0x4  }
0xc4: {  	v3 =	vmul.f32 v3, v4;
	_ =	sdelay $0x1  }
0xc5: {  	[tilespmem:s28+$0x0] =	vst v3  }
0xc6: {  	v3 =	vld [tilespmem:s29+$0x10];
	_ =	sdelay $0x4  }
0xc7: {  	v3 =	vmul.f32 v3, v4;
	_ =	sdelay $0x1  }
0xc8: {  	[tilespmem:s28+$0x10] =	vst v3  }
0xc9: {  	v3 =	vld [tilespmem:s29+$0x20];
	_ =	sdelay $0x4  }
0xca: {  	v3 =	vmul.f32 v3, v4;
	_ =	sdelay $0x1  }
0xcb: {  	[tilespmem:s28+$0x20] =	vst v3  }
0xcc: {  	v3 =	vld [tilespmem:s29+$0x30];
	_ =	sdelay $0x4  }
0xcd: {  	v3 =	vmul.f32 v3, v4;
	_ =	sdelay $0x1  }
0xce: {  	[tilespmem:s28+$0x30] =	vst v3  }
0xcf: {  	v3 =	vld [tilespmem:s29+$0x38];
	_ =	sdelay $0x4  }
0xd0: {  	v3 =	vadd.f32 v2, v3;
	_ =	sdelay $0x1  }
0xd1: {  	s26 =	sadd.s32 $0x1, s26;
	v3 =	vmul.f32 v3, v4  }
0xd2: {  	p0 =	sne.s32 s26, $0xFA  }
.Ltmp2:
0xd3: {  	[tilespmem:s28+$0x38] =	vst v3;
	(pc) =	sbr.rel @p0 .LBB2_4-.Ltmp2, $4  }
0xd4: {  	[spmem:s2] =	stream.indirect.scatter.add.f32 [tilespmem:s24], [sflag:$0x3], $0x88, s18, s18, $0xb8;
	[tilespmem:$0x19BE8] =	vst v63  }
0xd5: {  	_ =	swait.ge [sflag:s17], $0x2A80  }
0xd6: {  	[sflag:s17] =	ssyncset.done $0x0  }
0xd7: {  	[sflag:s17] =	ssyncadd.s32 $0xFFFFD580  }
0xd8: {  	s3 =	sadd.s32 $0x1, s3  }
0xd9: {  	s25 =	sshll.u32 s1, $0x6;
	[bflag:$0x0] =	sbarrier.arrive $0xFFFF;
	p0 =	sne.s32 s3, s12  }
.Ltmp3:
0xda: {  	s26 =	sshrl.u32 s11, $0x3;
	s25 =	sor.u32 $0x1C03, s25;
	(pc) =	sbr.rel @p0 .LBB2_1-.Ltmp3, $4  }
0xdb: {  	[hbm:s10], [sflag:s25] =	dma.local [spmem:s26], $0x1540  }
0xdc: {  	_ =	swait.ge [sflag:s17], $0x1540  }
0xdd: {  	[sflag:s17] =	ssyncset.done $0x0  }
0xde: {  	[sflag:s17] =	ssyncadd.s32 $0xFFFFEAC0  }
0xdf: {  	_ =	sfence.sel $0x180000  }
0xe0: {  	[bflag:$0x0] =	sbarrier.arrive $0xFFFF  }
0xe1: {  	p0 =	sne.s32 s1, $0x0;
	_ =	strace $0x9000004A  }
0xe2: {  	s0 =	sadd.s32 @!p0 $0x100000, s0;
	[bflag:$0x2] =	sbarrier.arrive $0xFFFF  }
0xe3: {  	[sflag:s0] =	ssyncadd.tile.s32 @!p0 $0x1;
	_ =	shalt  }
.Lfunc_end2:
_tile_overlayer_lowered:
.L_overlay_start_2:
0xe4: {  	(tag) =	ssettag $0x2  }
0xe5: {  	s0 =	rddreg [dreg:$0x0];
	s2 =	stileid.u32  }
0xe6: {  	s1 =	rddreg [dreg:$0x1];
	p0 =	sne.s32 s2, $0x0  }
0xe7: {  	s3 =	rddreg [dreg:$0x2];
	[bflag:$0x3] =	sbarrier.arrive $0xFFFF;
	s2 =	simm.s32 @!p0 $0x1C03  }
0xe8: {  	[timem:s3], [sflag:s2] =	dma.local @!p0 [hbm:s0], s1  }
0xe9: {  	s0 =	simm.s32 @!p0 $0x3  }
0xea: {  	_ =	swait.ge @!p0 [sflag:s0], s1  }
0xeb: {  	s1 =	ssub.s32 @!p0 $0x0, s1;
	[sflag:s0] =	ssyncset.done @!p0 $0x0  }
0xec: {  	[sflag:s0] =	ssyncadd.s32 @!p0 s1  }
0xed: {  	[bflag:$0x3] =	sbarrier.arrive $0xFFFF  }
0xee: {  	_ =	shalt  }

// kernel: kernel.8.cloned.1.call-start
scs
__scs_entry_jumppad:
0x0: {  	(pc) =	sbr.rel $0x88, $3  }
0x1: {  	(tag) =	ssettag $0x0;
	lr =	simm.s32 $0x1  }
0x2: {  	[smem:$0x3F91] =	sst lr;
	_ =	strace $0xD0000000  }
0x3: {  	_ = 	snop  }
0x4: {  	_ = 	snop  }
0x5: {  	_ = 	snop  }
0x6: {  	_ = 	snop  }
0x7: {  	_ = 	snop  }
__scs_overlays_trampoline_lowered:
0x8: {  	[smem:$0x3FA0] =	sst s0  }
0x9: {  	[smem:$0x3FA1] =	sst s1  }
0xa: {  	[smem:$0x3FA2] =	sst s2  }
0xb: {  	[smem:$0x3FA3] =	sst s3  }
0xc: {  	[smem:$0x3FA4] =	sst s4  }
0xd: {  	[smem:$0x3FA5] =	sst s5  }
0xe: {  	[smem:$0x3FA6] =	sst s6  }
0xf: {  	[smem:$0x3FA7] =	sst s7  }
0x10: {  	[smem:$0x3FA8] =	sst s8  }
0x11: {  	[smem:$0x3FA9] =	sst s9;
	s0 =	simm.s32 @!p0 $0x0  }
0x12: {  	s1 =	sld [smem:$0x3F8F];
	s0 =	simm.s32 @p0 $0x1  }
0x13: {  	[smem:$0x3FAA] =	sst s0;
	s0 =	simm.s32 @!p1 $0x0  }
0x14: {  	s2 =	sld [smem:$0x3F8E];
	s0 =	simm.s32 @p1 $0x1  }
0x15: {  	[smem:$0x3FAB] =	sst s0;
	s0 =	simm.s32 @!p2 $0x0  }
0x16: {  	s3 =	sld [smem:$0x3FDB];
	s0 =	simm.s32 @p2 $0x1  }
0x17: {  	s4 =	simm.s32 $0x1BF5;
	[smem:$0x3FAD] =	sst s0  }
0x18: {  	s0 =	sld [smem:$0x3F90];
	_ =	swait.ge [sflag:s4], $0x0  }
0x19: {  	s7 =	sld [smem:$0x3F91]  }
0x1a: {  	s8 =	sadd.s32 $0xFFFFE003, lr  }
0x1b: {  	s9 =	sadd.s32 $0xFFFFFEF7, lr;
	s5 =	simm.s32 $0xFFFFFFFF;
	p2 =	slt.u32 s8, $0xFFFFF086  }
0x1c: {  	p1 =	slt.u32 s9, $0xF7A;
	s5 =	simm.s32 @!p2 $0x0  }
0x1d: {  	s5 =	simm.s32 @p1 $0x1;
	p0 =	seq.s32 s7, s2  }
0x1e: {  	s7 =	smul.u32 @!p0 $0xF7A, s2;
	p2 =	seq.s32 @!p0 s5, $0x0  }
0x1f: {  	s9 =	smul.u32 $0xF7A, s1;
	s8 =	simm.s32 @!p0 $0x1BF5;
	p2 =	por !p2, p0  }
0x20: {  	[sflag:s8] =	ssyncset.s32 @!p0 $0xFFFFF086;
	s6 =	sadd.s32 @!p0 s3, s7;
	s7 =	simm.s32 @!p0 $0x108  }
0x21: {  	s3 =	sadd.s32 s3, s9;
	s6 =	sadd.s32 @!p0 $0x88, s6;
	s7 =	simm.s32 @p2 $0x1082  }
0x22: {  	[simem:s7], [sflag:s8] =	dma.local @!p0 [hbm:s6], $0xF7A  }
0x23: {  	s9 =	sor.u32 $0xD0000000, s2;
	s6 =	simm.s32 $0x108;
	_ =	swait.ge @!p0 [sflag:s8], $0x0  }
0x24: {  	s3 =	sadd.s32 $0x88, s3;
	s6 =	simm.s32 @!p1 $0x1082;
	[sflag:s4] =	ssyncset.s32 $0xFFFFF086  }
0x25: {  	[simem:s6], [sflag:s4] =	dma.local [hbm:s3], $0xF7A  }
0x26: {  	[smem:$0x3F91] =	sst s1;
	(tag) =	ssettag s2;
	_ =	strace s9  }
0x27: {  	s1 =	sld [smem:$0x3FA1]  }
0x28: {  	s2 =	sld [smem:$0x3FA2]  }
0x29: {  	s4 =	sld [smem:$0x3FA4]  }
0x2a: {  	p0 =	seq.s32 s5, $0x0;
	s5 =	sld [smem:$0x3FA5]  }
0x2b: {  	s6 =	sld [smem:$0x3FA6]  }
0x2c: {  	s7 =	sld [smem:$0x3FA7]  }
0x2d: {  	s3 =	simm.s32 $0x108;
	s8 =	sld [smem:$0x3FA8]  }
0x2e: {  	s3 =	simm.s32 @!p0 $0x1082;
	s9 =	sld [smem:$0x3FA9]  }
0x2f: {  	lr =	sadd.s32 s0, s3;
	s0 =	sld [smem:$0x3FA0]  }
0x30: {  	s3 =	sld [smem:$0x3FA3]  }
0x31: {  	[smem:$0x3FAC] =	sst s10  }
0x32: {  	s10 =	sld [smem:$0x3FAA];
	_ =	sdelay $0x3  }
0x33: {  	p0 =	seq.s32 s10, $0x1;
	s10 =	sld [smem:$0x3FAC];
	_ =	sdelay $0x3  }
0x34: {  	[smem:$0x3FAC] =	sst s10  }
0x35: {  	s10 =	sld [smem:$0x3FAB];
	_ =	sdelay $0x3  }
0x36: {  	p1 =	seq.s32 s10, $0x1;
	s10 =	sld [smem:$0x3FAC];
	_ =	sdelay $0x3  }
0x37: {  	[smem:$0x3FAC] =	sst s10  }
0x38: {  	s10 =	sld [smem:$0x3FAD]  }
0x39: {  	_ = 	snop;
	(pc) =	sbr.ind lr, $3  }
0x3a: {  	_ = 	snop  }
0x3b: {  	_ = 	snop  }
0x3c: {  	p2 =	seq.s32 s10, $0x1;
	s10 =	sld [smem:$0x3FAC]  }
0x3d: {  	_ =	shalt  }
0x3e: {  	_ =	shalt  }
0x3f: {  	_ =	shalt  }
0x40: {  	_ =	shalt  }
0x41: {  	_ =	shalt  }
0x42: {  	_ =	shalt  }
0x43: {  	_ =	shalt  }
0x44: {  	_ =	shalt  }
0x45: {  	_ =	shalt  }
0x46: {  	_ =	shalt  }
0x47: {  	_ =	shalt  }
0x48: {  	_ =	shalt  }
0x49: {  	_ =	shalt  }
0x4a: {  	_ =	shalt  }
0x4b: {  	_ =	shalt  }
0x4c: {  	_ =	shalt  }
0x4d: {  	_ =	shalt  }
0x4e: {  	_ =	shalt  }
0x4f: {  	_ =	shalt  }
0x50: {  	_ =	shalt  }
0x51: {  	_ =	shalt  }
0x52: {  	_ =	shalt  }
0x53: {  	_ =	shalt  }
0x54: {  	_ =	shalt  }
0x55: {  	_ =	shalt  }
0x56: {  	_ =	shalt  }
0x57: {  	_ =	shalt  }
0x58: {  	_ =	shalt  }
0x59: {  	_ =	shalt  }
0x5a: {  	_ =	shalt  }
0x5b: {  	_ =	shalt  }
0x5c: {  	_ =	shalt  }
0x5d: {  	_ =	shalt  }
0x5e: {  	_ =	shalt  }
0x5f: {  	_ =	shalt  }
0x60: {  	_ =	shalt  }
0x61: {  	_ =	shalt  }
0x62: {  	_ =	shalt  }
0x63: {  	_ =	shalt  }
0x64: {  	_ =	shalt  }
0x65: {  	_ =	shalt  }
0x66: {  	_ =	shalt  }
0x67: {  	_ =	shalt  }
0x68: {  	_ =	shalt  }
0x69: {  	_ =	shalt  }
0x6a: {  	_ =	shalt  }
0x6b: {  	_ =	shalt  }
0x6c: {  	_ =	shalt  }
0x6d: {  	_ =	shalt  }
0x6e: {  	_ =	shalt  }
0x6f: {  	_ =	shalt  }
0x70: {  	_ =	shalt  }
0x71: {  	_ =	shalt  }
0x72: {  	_ =	shalt  }
0x73: {  	_ =	shalt  }
0x74: {  	_ =	shalt  }
0x75: {  	_ =	shalt  }
0x76: {  	_ =	shalt  }
0x77: {  	_ =	shalt  }
0x78: {  	_ =	shalt  }
0x79: {  	_ =	shalt  }
0x7a: {  	_ =	shalt  }
0x7b: {  	_ =	shalt  }
0x7c: {  	_ =	shalt  }
0x7d: {  	_ =	shalt  }
0x7e: {  	_ =	shalt  }
0x7f: {  	_ =	shalt  }
0x80: {  	_ =	shalt  }
0x81: {  	_ =	shalt  }
0x82: {  	_ =	shalt  }
0x83: {  	_ =	shalt  }
0x84: {  	_ =	shalt  }
0x85: {  	_ =	shalt  }
0x86: {  	_ =	shalt  }
0x87: {  	_ =	shalt  }
.Lfunc_end0:
.L_simem_size_0:
called_computation_lowered:
.L_overlay_start_0:
0x88: {  	s2 =	sld [smem:$0x3FD9]  }
0x89: {  	s3 =	sld [smem:$0x3FFE];
	_ =	sdelay $0x1  }
0x8a: {  	s1 =	srdreg.scid  }
0x8b: {  	s0 =	sand.u32 $0x1, s1  }
0x8c: {  	s16 =	sshll.u32 s0, $0xA;
	s2 =	sadd.s32 s3, s2  }
0x8d: {  	s2 =	sadd.s32 s2, s16  }
0x8e: {  	[smem:$0x3FB8] =	sst s2  }
0x8f: {  	_ = 	snop  }
0x90: {  	(tm) =	ssettm $0x1  }
0x91: {  	s17 =	sld [smem:$0x3FFB];
	_ =	sdelay $0x3  }
0x92: {  	_ =	strace s17  }
0x93: {  	s2 =	sld [smem:$0x3FFC];
	_ =	sdelay $0x3  }
0x94: {  	_ =	strace s2  }
0x95: {  	s2 =	sld [smem:$0x3FFD];
	_ =	sdelay $0x3  }
0x96: {  	_ =	strace s2  }
0x97: {  	_ =	strace $0x8FFFFFFF  }
0x98: {  	s18 =	sld [smem:$0x3FDB];
	_ =	sdelay $0x1  }
0x99: {  	s19 =	simm.s32 $_scs_section_size  }
0x9a: {  	s4 =	simm.s32 $_size__tile_overlayer_lowered;
	s5 =	simm.s32 $_tile_overlayer_lowered  }
0x9b: {  	s22 =	simm.s32 $0x1BFF;
	s21 =	sshll.u32 s5, $0x1;
	s2 =	sadd.s32 s19, s18  }
0x9c: {  	s6 =	simm.s32 $0x0;
	s20 =	sshll.u32 s4, $0x1;
	s4 =	sadd.s32 s21, s2  }
0x9d: {  	[timem:s6], [sflag:s22] =	dma.local [hbm:s4], s20  }
0x9e: {  	_ =	swait.ge [sflag:s22], s20  }
0x9f: {  	s3 =	ssub.s32 $0x0, s20;
	[sflag:s22] =	ssyncset.done $0x0  }
0xa0: {  	[sflag:s22] =	ssyncadd.s32 s3;
	_ =	sdelay $0x1  }
0xa1: {  	s23 =	simm.s32 $0x1B8B  }
0xa2: {  	_ =	swait.ge [sflag:s23], $0x1  }
0xa3: {  	[sflag:s23] =	ssyncset.done $0x0  }
0xa4: {  	s25 =	simm.s32 $0x1B8E;
	s24 =	sld [smem:$0x3FFE];
	[sflag:s23] =	ssyncadd.s32 $0xFFFFFFFF  }
0xa5: {  	s26 =	simm.s32 $execute0_lowered;
	[smem:$0x3FD2] =	sst s25  }
0xa6: {  	s4 =	sshll.u32 s26, $0x1;
	_ =	strace $0x80000046;
	[dreg:$0x1] =	wrdreg $0xFFFFFFFF  }
0xa7: {  	s28 =	simm.s32 $_size_execute0_lowered;
	s2 =	sadd.s32 s2, s4;
	[dreg:$0x0] =	wrdreg $0x0  }
0xa8: {  	s4 =	sshll.u32 s28, $0x1;
	[dreg:$0x2] =	wrdreg s2  }
0xa9: {  	[dreg:$0x3] =	wrdreg s4  }
0xaa: {  	[dreg:$0x4] =	wrdreg $0xC0  }
0xab: {  	_ =	task [dreg:s6], $0x5FFFF  }
0xac: {  	[dreg:$0x1] =	wrdreg $0xFFFFFFFF  }
0xad: {  	[dreg:$0x0] =	wrdreg $0x60  }
0xae: {  	[dreg:$0x2] =	wrdreg s24  }
0xaf: {  	[dreg:$0x3] =	wrdreg $0x14B400  }
0xb0: {  	[dreg:$0x4] =	wrdreg $0x9  }
0xb1: {  	_ =	task.clear_ibuf [dreg:s6], $0x5FFFF;
	_ =	strace $0x90000046  }
0xb2: {  	s29 =	simm.s32 $0x9;
	_ =	strace $0x80000048  }
0xb3: {  	_ =	swait.ge [sflag:s29], $0x1  }
0xb4: {  	[sflag:s29] =	ssyncadd.s32 $0xFFFFFFFF  }
0xb5: {  	_ =	strace $0x90000048  }
0xb6: {  	_ =	sfence  }
0xb7: {  	s30 =	sld [smem:$0x0];
	_ =	sdelay $0x2  }
0xb8: {  	s31 =	sshll.u32 s1, $0xD;
	s1 =	sshrl.u32 s1, $0x2  }
0xb9: {  	s3 =	sand.u32 $0x4000, s31;
	s1 =	sadd.s32 s1, s30  }
0xba: {  	s0 =	sor.u32 s3, s0;
	s1 =	sshll.u32 s1, $0x11  }
0xbb: {  	s0 =	sor.u32 s1, s0  }
0xbc: {  	s0 =	sadd.s32 $0x8F2B, s0  }
0xbd: {  	[sflag:s0] =	ssyncadd.remote.s32 $0x1  }
0xbe: {  	_ =	sfence.sel $0xFFFF  }
0xbf: {  	[dreg:$0x0] =	wrdreg $0xFFFFFFFF;
	(pc) =	sbr.abs _section_cstart, $3  }
0xc0: {  	[dreg:$0x1] =	wrdreg $0xFFFFFFFF  }
0xc1: {  	_ =	task.clear_ibuf [dreg:s6], $0x2FFFF;
	_ =	strace $0x9FFFFFFF  }
0xc2: {  	(tm) =	ssettm $0x7FFFFFFF  }
0xc3: {  	_ =	shalt  }
tec
execute0_lowered:
.L_overlay_start_1:
0x0: {  	(tag) =	ssettag $0x1  }
0x1: {  	s8 =	rddreg [dreg:$0x0]  }
0x2: {  	s0 =	srdreg.scid;
	s2 =	rddreg [dreg:$0x1]  }
0x3: {  	s1 =	stileid.u32;
	s3 =	simm.s32 $0x0;
	s15 =	simm.s32 $0x12D40  }
0x4: {  	s16 =	simm.s32 $0x3;
	s17 =	simm.s32 $0xA0;
	s18 =	simm.s32 $0x140  }
0x5: {  	s19 =	simm.s32 $0x5140;
	s20 =	simm.s32 $0xA140;
	s22 =	simm.s32 $0x1  }
0x6: {  	s7 =	sand.u32 $0x1, s0;
	s0 =	rddreg [dreg:$0x2];
	s5 =	smul.u32 $0x138, s1  }
0x7: {  	s23 =	simm.s32 $0xF140;
	[smem:$0x7FF] =	sst s3;
	s11 =	smul.u32 $0x1D400, s1  }
0x8: {  	s4 =	sadd.s32 $0x4F8C00, s8;
	s21 =	smul.u32 $0x1388, s7;
	s10 =	ssub.s32 $0x2, s7  }
0x9: {  	_ =	strace $0x80000047;
	s7 =	sadd.s32 $0x3000, s8;
	s30 =	sshrl.u32 s10, $0x1  }
0xa: {  	s31 =	sshrl.u32 s11, $0x2;
	s6 =	sadd.s32 s5, s21;
	s5 =	sadd.s32 $0x51FE00, s8  }
0xb: {  	s12 =	ssub.s32 s10, s30;
	s10 =	sadd.s32 s31, s2;
	s9 =	smul.u32 $0xC, s6  }
0xc: {  	v0 =	vmov s21;
	s21 =	simm.s32 $0x2;
	s6 =	sadd.s32 $0xCE00, s8;
	s11 =	smax.u32 s12, $0x1  }
0xd: {  	s12 =	sadd.s32 $0x1E00, s10;
	s13 =	sadd.s32 $0x3C00, s10;
	s9 =	sadd.s32 s9, s8  }
0xe: {  	v1 =	vimm.f32 $0.0e+00;
	vm0 =	vmmov $0xff;
	s14 =	sadd.s32 $0x5A00, s10;
	s8 =	smul.u32 $0x4E20, s1;
	s9 =	sadd.s32 $0x16C00, s9  }
.LBB2_1:
0xf: {  	s24 =	simm.s32 $0x0  }
0x10: {  	[tilespmem:s24+$0x12D90] =	vst v1  }
0x11: {  	[tilespmem:s24+$0x12D40] =	vst v1  }
0x12: {  	[tilespmem:s24+$0x12D50] =	vst v1  }
0x13: {  	[tilespmem:s24+$0x12D60] =	vst v1  }
0x14: {  	s25 =	simm.s32 $0x180;
	[tilespmem:s24+$0x12D70] =	vst v1  }
.LBB2_2:
0x15: {  	p0 =	sne.s32 s25, $0x7680;
	[tilespmem:s24+$0x12D80] =	vst v1;
	s24 =	sshra.s32 s25, $0x2;
	s25 =	sadd.s32 $0x180, s25  }
.Ltmp0:
0x16: {  	[tilespmem:s24+$0x12D90] =	vst v1;
	(pc) =	sbr.rel @p0 .LBB2_2-.Ltmp0, $4  }
0x17: {  	[tilespmem:s24+$0x12D40] =	vst v1  }
0x18: {  	[tilespmem:s24+$0x12D50] =	vst v1  }
0x19: {  	[tilespmem:s24+$0x12D60] =	vst v1  }
0x1a: {  	[tilespmem:s24+$0x12D70] =	vst v1  }
0x1b: {  	[tilespmem:s24+$0x12D80] =	vst v1  }
0x1c: {  	[spmem:s10] =	stream.linear.scatter [tilespmem:s15], [sflag:$0x3], $0x1E00, $0x38;
	[tilespmem:$0x1C0A0] =	vst v63  }
0x1d: {  	_ =	swait.ge [sflag:s16], $0x1E00  }
0x1e: {  	[sflag:s16] =	ssyncset.done $0x0  }
0x1f: {  	[sflag:s16] =	ssyncadd.s32 $0xFFFFE200  }
0x20: {  	[spmem:s12] =	stream.linear.scatter [tilespmem:s15], [sflag:$0x3], $0x1E00, $0x38;
	[tilespmem:$0x1C0A0] =	vst v63  }
0x21: {  	_ =	swait.ge [sflag:s16], $0x1E00  }
0x22: {  	[sflag:s16] =	ssyncset.done $0x0  }
0x23: {  	[sflag:s16] =	ssyncadd.s32 $0xFFFFE200  }
0x24: {  	[spmem:s13] =	stream.linear.scatter [tilespmem:s15], [sflag:$0x3], $0x1E00, $0x38;
	[tilespmem:$0x1C0A0] =	vst v63  }
0x25: {  	_ =	swait.ge [sflag:s16], $0x1E00  }
0x26: {  	[sflag:s16] =	ssyncset.done $0x0  }
0x27: {  	[sflag:s16] =	ssyncadd.s32 $0xFFFFE200  }
0x28: {  	[spmem:s14] =	stream.linear.scatter [tilespmem:s15], [sflag:$0x3], $0x1E00, $0x38;
	[tilespmem:$0x1C0A0] =	vst v63  }
0x29: {  	_ =	swait.ge [sflag:s16], $0x1E00  }
0x2a: {  	[sflag:s16] =	ssyncset.done $0x0  }
0x2b: {  	[sflag:s16] =	ssyncadd.s32 $0xFFFFE200  }
0x2c: {  	s24 =	simm.s32 $0x0;
	s25 =	simm.s32 $0x0;
	[bflag:$0x0] =	sbarrier.arrive $0xFFFF  }
.LBB2_4:
0x2d: {  	s26 =	smul.u32 $0xA0, s25;
	_ =	sdelay $0x1  }
0x2e: {  	s26 =	sadd.s32 s8, s26  }
0x2f: {  	s28 =	sshrl.u32 s26, $0x3  }
0x30: {  	s29 =	sadd.s32 s6, s28  }
0x31: {  	[tilespmem:s24], [sflag:$0x3] =	stream.linear.gather [hbm4b:s29+s24], $0xA0, $0x38;
	[tilespmem:$0x1C0A0] =	vst v63  }
0x32: {  	_ =	swait.ge [sflag:s16], $0xA0  }
0x33: {  	[sflag:s16] =	ssyncset.done $0x0  }
0x34: {  	s28 =	sadd.s32 s7, s28;
	[sflag:s16] =	ssyncadd.s32 $0xFFFFFF60  }
0x35: {  	[tilespmem:s17], [sflag:$0x3] =	stream.linear.gather [hbm4b:s28+s24], $0xA0, $0x38;
	[tilespmem:$0x1C0A0] =	vst v63  }
0x36: {  	_ =	swait.ge [sflag:s16], $0xA0  }
0x37: {  	[sflag:s16] =	ssyncset.done $0x0  }
0x38: {  	[sflag:s16] =	ssyncadd.s32 $0xFFFFFF60  }
0x39: {  	[tilespmem:s18], [sflag:$0x1] =	stream.indirect.gather [hbm4b:s4+s17], $0x80, s24, s17, $0xb8;
	[tilespmem:$0x1C0A0] =	vst v63  }
0x3a: {  	s26 =	sshll.u32 s26, $0x4  }
0x3b: {  	[tilespmem:s19], [sflag:$0x2] =	stream.indirect.gather [hbm4b:s4+s17], $0x80, s17, s17, $0xb8;
	[tilespmem:$0x1C0A0] =	vst v63  }
0x3c: {  	s26 =	sadd.s32 s5, s26  }
0x3d: {  	[tilespmem:s20], [sflag:$0x3] =	stream.linear.gather [hbm4b:s26+s24], $0x5000, $0x38;
	[tilespmem:$0x1C0A0] =	vst v63  }
0x3e: {  	_ =	swait.ge [sflag:s16], $0x5000  }
0x3f: {  	[sflag:s16] =	ssyncset.done $0x0  }
0x40: {  	[sflag:s16] =	ssyncadd.s32 $0xFFFFB000  }
0x41: {  	_ =	swait.ge [sflag:s21], $0x5000  }
0x42: {  	[sflag:s21] =	ssyncset.done $0x0  }
0x43: {  	[sflag:s21] =	ssyncadd.s32 $0xFFFFB000  }
0x44: {  	_ =	swait.ge [sflag:s22], $0x5000  }
0x45: {  	[sflag:s22] =	ssyncset.done $0x0  }
0x46: {  	[sflag:s22] =	ssyncadd.s32 $0xFFFFB000  }
0x47: {  	v2 =	vld [tilespmem:$0xA0]  }
0x48: {  	v3 =	vld [tilespmem:$0xB0]  }
0x49: {  	v4 =	vld [tilespmem:$0xC0]  }
0x4a: {  	v5 =	vld [tilespmem:$0xD0]  }
0x4b: {  	v6 =	vld [tilespmem:$0xE0]  }
0x4c: {  	v7 =	vld [tilespmem:$0xF0];
	v2 =	vsub.s32 v2, v0  }
0x4d: {  	v8 =	vld [tilespmem:$0x100];
	v3 =	vsub.s32 v3, v0;
	v2 =	vmin.u32 v2, $0x1388  }
0x4e: {  	v53 =	vld [tilespmem:$0x110];
	[tilespmem:$0xA0] =	vst v2;
	v2 =	vmin.u32 v3, $0x1388;
	v3 =	vsub.s32 v4, v0  }
0x4f: {  	v54 =	vld [tilespmem:$0x120];
	[tilespmem:$0xB0] =	vst v2;
	v2 =	vmin.u32 v3, $0x1388;
	v3 =	vsub.s32 v5, v0  }
0x50: {  	v55 =	vld [tilespmem:$0x130];
	[tilespmem:$0xC0] =	vst v2;
	v2 =	vmin.u32 v3, $0x1388;
	v3 =	vsub.s32 v6, v0  }
0x51: {  	[tilespmem:$0xD0] =	vst v2;
	v2 =	vmin.u32 v3, $0x1388;
	v3 =	vsub.s32 v7, v0  }
0x52: {  	[tilespmem:$0xE0] =	vst v2;
	v2 =	vmin.u32 v3, $0x1388;
	v3 =	vsub.s32 v8, v0  }
0x53: {  	[tilespmem:$0xF0] =	vst v2;
	v2 =	vmin.u32 v3, $0x1388;
	v3 =	vsub.s32 v53, v0  }
0x54: {  	[tilespmem:$0x100] =	vst v2;
	v2 =	vmin.u32 v3, $0x1388;
	v3 =	vsub.s32 v54, v0  }
0x55: {  	[tilespmem:$0x110] =	vst v2;
	v2 =	vmin.u32 v3, $0x1388;
	v3 =	vsub.s32 v55, v0  }
0x56: {  	[tilespmem:$0x120] =	vst v2;
	v2 =	vmin.u32 v3, $0x1388  }
0x57: {  	s28 =	simm.s32 $0x0;
	[tilespmem:$0x130] =	vst v2  }
0x58: {  	v2 =	vld [tilespmem:s28+$0x140]  }
0x59: {  	v3 =	vld [tilespmem:s28+$0x51B0];
	_ =	sdelay $0x1  }
0x5a: {  	v56 =	vld [tilespmem:s28+$0xA140];
	_ =	sdelay $0x2  }
0x5b: {  	v2 =	vadd.f32 v3, v2;
	_ =	sdelay $0x1  }
0x5c: {  	v2 =	vadd.f32 v56, v2;
	_ =	sdelay $0x1  }
0x5d: {  	v3 =	vmul.f32 $2.000000030e-01, v2  }
0x5e: {  	vm1 =	vgt.f32 v2, $0.0e+00  }
0x5f: {  	v2 =	vsel vm1, v2, v3  }
0x60: {  	v2 =	vmul.f32 $1.442695020e+00, v2;
	_ =	sdelay $0x1  }
0x61: {  	(erf) = vpow2.f32 v2;
	_ =	sdelay $0x7  }
0x62: {  	s26 =	simm.s32 $0xF170  }
0x63: {  	[tilespmem:s26+$0xFFFFFFD0] =	vst v56;
	v2 =	vpop (erf)  }
0x64: {  	[tilespmem:s26+$0xFFFFFFE0] =	vst v2  }
0x65: {  	v3 =	vld [tilespmem:s28+$0x150];
	_ =	sdelay $0x1  }
0x66: {  	v57 =	vbroadcast v2, $0x1;
	v58 =	vbroadcast v2, $0x2;
	_ =	sdelay $0x1  }
0x67: {  	v4 =	vsel vm0, v57, v58  }
0x68: {  	v3 =	vmul.f32 v4, v3;
	_ =	sdelay $0x1  }
0x69: {  	[tilespmem:s26+$0xFFFFFFF0] =	vst v3  }
0x6a: {  	v3 =	vld [tilespmem:s28+$0x160];
	_ =	sdelay $0x1  }
0x6b: {  	v59 =	vbroadcast v2, $0x3;
	v60 =	vbroadcast v2, $0x4;
	_ =	sdelay $0x1  }
0x6c: {  	v4 =	vsel vm0, v59, v60  }
0x6d: {  	v3 =	vmul.f32 v4, v3;
	_ =	sdelay $0x1  }
0x6e: {  	[tilespmem:s26+$0x0] =	vst v3  }
0x6f: {  	v3 =	vld [tilespmem:s28+$0x170];
	_ =	sdelay $0x1  }
0x70: {  	v61 =	vbroadcast v2, $0x5;
	v62 =	vbroadcast v2, $0x6;
	_ =	sdelay $0x1  }
0x71: {  	v4 =	vsel vm0, v61, v62  }
0x72: {  	v3 =	vmul.f32 v3, v4;
	_ =	sdelay $0x1  }
0x73: {  	[tilespmem:s26+$0x10] =	vst v3  }
0x74: {  	v3 =	vld [tilespmem:s28+$0x180];
	_ =	sdelay $0x1  }
0x75: {  	v63 =	vbroadcast v2, $0x7;
	v2 =	vbroadcast v2, $0x8;
	_ =	sdelay $0x1  }
0x76: {  	v2 =	vsel vm0, v63, v2  }
0x77: {  	s29 =	simm.s32 $0xF170;
	s28 =	simm.s32 $0x200;
	v2 =	vmul.f32 v3, v2  }
.LBB2_5:
0x78: {  	p0 =	sne.s32 s28, $0x13E00  }
0x79: {  	s26 =	sadd.s32 $0x60, s26;
	s30 =	smov.u32 s28;
	s28 =	sadd.s32 $0x200, s28  }
0x7a: {  	s30 =	sshra.s32 s30, $0x2;
	[tilespmem:s29+$0x20] =	vst v2;
	s29 =	smov.u32 s26  }
0x7b: {  	v2 =	vld [tilespmem:s30+$0x140]  }
0x7c: {  	v3 =	vld [tilespmem:s30+$0x51B0]  }
0x7d: {  	v4 =	vld [tilespmem:s30+$0xA140];
	_ =	sdelay $0x3  }
0x7e: {  	v2 =	vadd.f32 v3, v2;
	_ =	sdelay $0x1  }
0x7f: {  	v2 =	vadd.f32 v4, v2;
	_ =	sdelay $0x1  }
0x80: {  	vm1 =	vgt.f32 v2, $0.0e+00;
	v3 =	vmul.f32 $2.000000030e-01, v2;
	_ =	sdelay $0x1  }
0x81: {  	v2 =	vsel vm1, v2, v3  }
0x82: {  	v2 =	vmul.f32 $1.442695020e+00, v2;
	_ =	sdelay $0x1  }
0x83: {  	(erf) = vpow2.f32 v2;
	_ =	sdelay $0x8  }
0x84: {  	[tilespmem:s26+$0xFFFFFFD0] =	vst v4;
	v2 =	vpop (erf)  }
0x85: {  	[tilespmem:s26+$0xFFFFFFE0] =	vst v2;
	v3 =	vbroadcast v2, $0x1;
	v4 =	vbroadcast v2, $0x2  }
0x86: {  	v6 =	vbroadcast v2, $0x3;
	v7 =	vbroadcast v2, $0x4;
	v5 =	vld [tilespmem:s30+$0x150]  }
0x87: {  	v8 =	vbroadcast v2, $0x7;
	v3 =	vsel vm0, v3, v4;
	v4 =	vbroadcast v2, $0x5  }
0x88: {  	v6 =	vsel vm0, v6, v7;
	v7 =	vbroadcast v2, $0x8;
	_ =	sdelay $0x1  }
0x89: {  	v7 =	vsel vm0, v8, v7  }
0x8a: {  	v3 =	vmul.f32 v3, v5;
	_ =	sdelay $0x1  }
0x8b: {  	[tilespmem:s26+$0xFFFFFFF0] =	vst v3  }
0x8c: {  	v3 =	vld [tilespmem:s30+$0x160];
	_ =	sdelay $0x4  }
0x8d: {  	v3 =	vmul.f32 v6, v3;
	_ =	sdelay $0x1  }
0x8e: {  	[tilespmem:s26+$0x0] =	vst v3  }
0x8f: {  	v3 =	vld [tilespmem:s30+$0x170]  }
0x90: {  	v2 =	vbroadcast v2, $0x6;
	_ =	sdelay $0x1  }
0x91: {  	v2 =	vsel vm0, v4, v2;
	_ =	sdelay $0x1  }
0x92: {  	v2 =	vmul.f32 v3, v2;
	_ =	sdelay $0x1  }
0x93: {  	[tilespmem:s26+$0x10] =	vst v2  }
0x94: {  	v2 =	vld [tilespmem:s30+$0x180]  }
.Ltmp1:
0x95: {  	(pc) =	sbr.rel @p0 .LBB2_5-.Ltmp1, $2  }
0x96: {  	_ =	sdelay $0x2  }
0x97: {  	v2 =	vmul.f32 v2, v7  }
0x98: {  	s25 =	sadd.s32 $0x1, s25  }
0x99: {  	p0 =	sne.s32 s25, $0x7D  }
.Ltmp2:
0x9a: {  	[tilespmem:s29+$0x20] =	vst v2;
	(pc) =	sbr.rel @p0 .LBB2_4-.Ltmp2, $4  }
0x9b: {  	[spmem:s2] =	stream.indirect.scatter.add.f32 [tilespmem:s23], [sflag:$0x3], $0x60, s17, s17, $0xb8;
	[tilespmem:$0x1C0A0] =	vst v63  }
0x9c: {  	_ =	swait.ge [sflag:s16], $0x3C00  }
0x9d: {  	[sflag:s16] =	ssyncset.done $0x0  }
0x9e: {  	[sflag:s16] =	ssyncadd.s32 $0xFFFFC400  }
0x9f: {  	s3 =	sadd.s32 $0x1, s3  }
0xa0: {  	s24 =	sshll.u32 s1, $0x6;
	[bflag:$0x0] =	sbarrier.arrive $0xFFFF;
	p0 =	sne.s32 s3, s11  }
.Ltmp3:
0xa1: {  	s25 =	sshrl.u32 s10, $0x3;
	s24 =	sor.u32 $0x1C03, s24;
	(pc) =	sbr.rel @p0 .LBB2_1-.Ltmp3, $4  }
0xa2: {  	[hbm:s9], [sflag:s24] =	dma.local [spmem:s25], $0xF00  }
0xa3: {  	_ =	swait.ge [sflag:s16], $0xF00  }
0xa4: {  	[sflag:s16] =	ssyncset.done $0x0  }
0xa5: {  	[sflag:s16] =	ssyncadd.s32 $0xFFFFF100  }
0xa6: {  	_ =	sfence.sel $0x180000  }
0xa7: {  	[bflag:$0x0] =	sbarrier.arrive $0xFFFF  }
0xa8: {  	p0 =	sne.s32 s1, $0x0;
	_ =	strace $0x90000047  }
0xa9: {  	s0 =	sadd.s32 @!p0 $0x100000, s0;
	[bflag:$0x2] =	sbarrier.arrive $0xFFFF  }
0xaa: {  	[sflag:s0] =	ssyncadd.tile.s32 @!p0 $0x1;
	_ =	shalt  }
.Lfunc_end2:
_tile_overlayer_lowered:
.L_overlay_start_2:
0xab: {  	(tag) =	ssettag $0x2  }
0xac: {  	s0 =	rddreg [dreg:$0x0];
	s2 =	stileid.u32  }
0xad: {  	s1 =	rddreg [dreg:$0x1];
	p0 =	sne.s32 s2, $0x0  }
0xae: {  	s3 =	rddreg [dreg:$0x2];
	[bflag:$0x3] =	sbarrier.arrive $0xFFFF;
	s2 =	simm.s32 @!p0 $0x1C03  }
0xaf: {  	[timem:s3], [sflag:s2] =	dma.local @!p0 [hbm:s0], s1  }
0xb0: {  	s0 =	simm.s32 @!p0 $0x3  }
0xb1: {  	_ =	swait.ge @!p0 [sflag:s0], s1  }
0xb2: {  	s1 =	ssub.s32 @!p0 $0x0, s1;
	[sflag:s0] =	ssyncset.done @!p0 $0x0  }
0xb3: {  	[sflag:s0] =	ssyncadd.s32 @!p0 s1  }
0xb4: {  	[bflag:$0x3] =	sbarrier.arrive $0xFFFF  }
0xb5: {  	_ =	shalt  }

</sc_bundles>
